<compile_context>
chip_gen: v7x
topology: tpu7x:2x2x1
jax: 0.10.2.dev20260603
libtpu: 0.0.44.dev20260713+nightly
codegen_flags: <defaults>
</compile_context>

<pallas_src>
import jax
import jax.numpy as jnp
from jax import lax
from jax.experimental import pallas as pl
from jax.experimental.pallas import tpu as pltpu
from jax.experimental.pallas import tpu_sc as plsc

_B = 16384
_D = 128
_NREL = 1000
_L = 16
_NW = 32

_BSC = 12288
_BTC = _B - _BSC
_BPW = _BSC // _NW
_C = 128
_NCHUNK = _BPW // _C
_TBLK = 512


def _sc_body(h_hbm, t_hbm, r_hbm, tab_hbm, out_hbm,
             idx_v, h_v, t_v, rel_v, out_v,
             isem, sem0, sem1, osem):
    cid = lax.axis_index("c")
    sid = lax.axis_index("s")
    wid = sid * 2 + cid
    base = wid * _BPW
    lane = lax.iota(jnp.int32, _L)
    last = lane == (_L - 1)
    sems = (sem0, sem1)

    idx_copies = [
        pltpu.async_copy(r_hbm.at[pl.ds(base + c * _C, _C)], idx_v.at[c], isem)
        for c in range(_NCHUNK)
    ]
    for cp in idx_copies:
        cp.wait()

    def fetch(c, b):
        off = base + c * _C
        return [
            pltpu.async_copy(tab_hbm.at[idx_v.at[c]], rel_v.at[b], sems[b]),
            pltpu.async_copy(h_hbm.at[pl.ds(off, _C), :], h_v.at[b], sems[b]),
            pltpu.async_copy(t_hbm.at[pl.ds(off, _C), :], t_v.at[b], sems[b]),
        ]

    pending = fetch(0, 0)
    out_copies = [None, None]
    for c in range(_NCHUNK):
        b = c % 2
        nxt = fetch(c + 1, 1 - b) if c + 1 < _NCHUNK else None
        for cp in pending:
            cp.wait()
        pending = nxt
        if out_copies[b] is not None:
            out_copies[b].wait()

        @plsc.parallel_loop(0, _C, unroll=4)
        def row_body(i, _b=b):
            accs = [jnp.zeros((_L,), jnp.float32) for _ in range(4)]
            for j in range(_D // _L):
                sl = pl.ds(j * _L, _L)
                accs[j % 4] = accs[j % 4] + (
                    h_v[_b, i, sl] * rel_v[_b, i, sl]) * t_v[_b, i, sl]
            acc = (accs[0] + accs[1]) + (accs[2] + accs[3])
            cum = plsc.cumsum(acc)
            plsc.store_compressed(out_v.at[_b, pl.ds(i, _L)], cum, mask=last)

        out_copies[b] = pltpu.async_copy(
            out_v.at[b, pl.ds(0, _C)], out_hbm.at[pl.ds(base + c * _C, _C)],
            osem)
    for cp in out_copies:
        if cp is not None:
            cp.wait()


def _make_sc():
    mesh = plsc.VectorSubcoreMesh(core_axis_name="c", subcore_axis_name="s")
    return pl.kernel(
        _sc_body,
        out_type=jax.ShapeDtypeStruct((_BSC,), jnp.float32),
        mesh=mesh,
        compiler_params=pltpu.CompilerParams(needs_layout_passes=False),
        scratch_types=[
            pltpu.VMEM((_NCHUNK, _C), jnp.int32),
            pltpu.VMEM((2, _C, _D), jnp.float32),
            pltpu.VMEM((2, _C, _D), jnp.float32),
            pltpu.VMEM((2, _C, _D), jnp.float32),
            pltpu.VMEM((2, _C + _L), jnp.float32),
            pltpu.SemaphoreType.DMA,
            pltpu.SemaphoreType.DMA,
            pltpu.SemaphoreType.DMA,
            pltpu.SemaphoreType.DMA,
        ],
    )


def _dot_t(a, b):
    return lax.dot_general(a, b, (((1,), (1,)), ((), ())),
                           preferred_element_type=jnp.float32)


def _tc_body(h_ref, t_ref, r_ref, rel_ref, out_ref):
    p = h_ref[...] * t_ref[...]
    rel = rel_ref[...]
    p_hi = p.astype(jnp.bfloat16)
    p_lo = (p - p_hi.astype(jnp.float32)).astype(jnp.bfloat16)
    rel_hi = rel.astype(jnp.bfloat16)
    rel_lo = (rel - rel_hi.astype(jnp.float32)).astype(jnp.bfloat16)
    s = _dot_t(p_hi, rel_hi) + (_dot_t(p_hi, rel_lo) + _dot_t(p_lo, rel_hi))
    cols = lax.broadcasted_iota(jnp.int32, (_TBLK, _NREL), 1)
    sel = jnp.where(cols == r_ref[...][:, None], s, 0.0)
    out_ref[...] = jnp.sum(sel, axis=1)


def _make_tc():
    nblk = _BTC // _TBLK
    off = _BSC // _TBLK
    return pl.pallas_call(
        _tc_body,
        grid=(nblk,),
        in_specs=[
            pl.BlockSpec((_TBLK, _D), lambda i: (i + off, 0)),
            pl.BlockSpec((_TBLK, _D), lambda i: (i + off, 0)),
            pl.BlockSpec((_TBLK,), lambda i: (i + off,)),
            pl.BlockSpec((_NREL, _D), lambda i: (0, 0)),
        ],
        out_specs=pl.BlockSpec((_TBLK,), lambda i: (i,)),
        out_shape=jax.ShapeDtypeStruct((_BTC,), jnp.float32),
    )


@jax.jit
def _dist_mult(h, t, r, rel_emb):
    sc_out = _make_sc()(h, t, r, rel_emb)
    tc_out = _make_tc()(h, t, r, rel_emb)
    return jnp.concatenate([sc_out, tc_out])


def kernel(h, t, r, rel_emb):
    return _dist_mult(h, t, r.astype(jnp.int32), rel_emb)

# --- scband reference (transcript-rebuilt; emitter-appended) ---
"""Pipeline reference for scband-dist-mult-decoder-38938173505662 (READ-ONLY COPY).

The authoritative reference and input builder live on the scoring server;
editing this copy changes nothing except your own understanding.
"""

import jax, jax.numpy as jnp
import numpy as np

NUM_RELATIONS = 1000
HIDDEN_DIM = 128
BATCH = 16384

def _xavier_uniform(key, shape):
    fan_in, fan_out = shape[0], shape[1]
    limit = float(np.sqrt(6.0 / (fan_in + fan_out)))
    return jax.random.uniform(key, shape, dtype=jnp.float32, minval=-limit, maxval=limit)

def setup_inputs(seed: int = 0) -> dict:
    key = jax.random.key(seed)
    k_h, k_t, k_r, k_emb = jax.random.split(key, 4)
    h = jax.random.normal(k_h, (BATCH, HIDDEN_DIM), dtype=jnp.float32)
    t = jax.random.normal(k_t, (BATCH, HIDDEN_DIM), dtype=jnp.float32)
    r = jax.random.randint(k_r, (BATCH,), 0, NUM_RELATIONS, dtype=jnp.int64 if jax.config.jax_enable_x64 else jnp.int32)
    rel_emb = _xavier_uniform(k_emb, (NUM_RELATIONS, HIDDEN_DIM))
    return {"h": h, "t": t, "r": r, "rel_emb": rel_emb}

def reference(h, t, r, rel_emb):
    rel = jnp.take(rel_emb, r, axis=0)
    score = h * rel * t
    return jnp.sum(score, axis=1)

if __name__ == "__main__":
    import jax
    _d = setup_inputs()
    print(jax.jit(kernel)(*tuple(_d.values())))

</pallas_src>

<mosaic_0001>
#map = affine_map<(d0, d1) -> (0, 0)>
#map1 = affine_map<(d0, d1) -> (0)>
module attributes {stable_mosaic.version = 14 : i64} {
  func.func @_sc_body(%arg0: i32, %arg1: i32, %arg2: memref<16384x128xf32, #tpu.memory_space<hbm>>, %arg3: memref<16384x128xf32, #tpu.memory_space<hbm>>, %arg4: memref<16384xi32, #tpu.memory_space<hbm>>, %arg5: memref<1000x128xf32, #tpu.memory_space<hbm>>, %arg6: memref<12288xf32, #tpu.memory_space<hbm>>, %arg7: memref<3x128xi32, #tpu.memory_space<vmem>>, %arg8: memref<2x128x128xf32, #tpu.memory_space<vmem>>, %arg9: memref<2x128x128xf32, #tpu.memory_space<vmem>>, %arg10: memref<2x128x128xf32, #tpu.memory_space<vmem>>, %arg11: memref<2x144xf32, #tpu.memory_space<vmem>>, %arg12: memref<!tpu.dma_semaphore, #tpu.memory_space<semaphore_mem>>, %arg13: memref<!tpu.dma_semaphore, #tpu.memory_space<semaphore_mem>>, %arg14: memref<!tpu.dma_semaphore, #tpu.memory_space<semaphore_mem>>, %arg15: memref<!tpu.dma_semaphore, #tpu.memory_space<semaphore_mem>>) attributes {dimension_semantics = [#tpu.dimension_semantics<core_parallel>, #tpu.dimension_semantics<subcore_parallel>], iteration_bounds = array<i64: 2, 16>, scalar_prefetch = 0 : i64, scratch_operands = 9 : i64, tpu.core_type = #tpu.core_type<sc_vector_subcore>, window_params = [{transform_indices = #map}, {transform_indices = #map}, {transform_indices = #map1}, {transform_indices = #map}, {transform_indices = #map1}]} {
    %mul3A = arith.constant 2 : i32
    %mul3A_0 = arith.muli %arg1, %mul3A : i32
    %add3A = arith.addi %mul3A_0, %arg0 : i32
    %mul3A_1 = arith.constant 384 : i32
    %mul3A_2 = arith.muli %add3A, %mul3A_1 : i32
    %iota3A = tpu.iota {dimensions = array<i32: 0>} : vector<16xi32>
    %eq3A = arith.constant 15 : i32
    %eq3A_3 = vector.broadcast %eq3A : i32 to vector<16xi32>
    %eq3A_4 = arith.cmpi eq, %iota3A, %eq3A_3 : vector<16xi32>
    %add3A_5 = arith.constant 0 : i32
    %add3A_6 = arith.addi %mul3A_2, %add3A_5 : i32
    %dma_start3A = arith.constant 0 : i32
    %dma_start3A_7 = arith.constant 0 : i32
    %dma_start3A_8 = tpu.memref_slice %arg7[%dma_start3A, %dma_start3A_7] : memref<3x128xi32, #tpu.memory_space<vmem>> -> memref<1x128xi32, #tpu.memory_space<vmem>>
    %dma_start3A_9 = tpu.memref_squeeze %dma_start3A_8 : memref<1x128xi32, #tpu.memory_space<vmem>> -> memref<128xi32, #tpu.memory_space<vmem>>
    %dma_start3A_10 = tpu.memref_slice %arg4[%add3A_6] : memref<16384xi32, #tpu.memory_space<hbm>> -> memref<128xi32, #tpu.memory_space<hbm>>
    %dma_start3A_11 = arith.constant 0 : i32
    %dma_start3A_12 = tpu.memref_slice %arg7[%dma_start3A, %dma_start3A_11] : memref<3x128xi32, #tpu.memory_space<vmem>> -> memref<1x128xi32, #tpu.memory_space<vmem>>
    %dma_start3A_13 = tpu.memref_squeeze %dma_start3A_12 : memref<1x128xi32, #tpu.memory_space<vmem>> -> memref<128xi32, #tpu.memory_space<vmem>>
    %dma_start3A_14 = tpu.memref_slice %arg4[%add3A_6] : memref<16384xi32, #tpu.memory_space<hbm>> -> memref<128xi32, #tpu.memory_space<hbm>>
    tpu.enqueue_dma source(%dma_start3A_14 : memref<128xi32, #tpu.memory_space<hbm>>) target(%dma_start3A_13 : memref<128xi32, #tpu.memory_space<vmem>>) target_semaphore(%arg12 : memref<!tpu.dma_semaphore, #tpu.memory_space<semaphore_mem>>)
    %add3A_15 = arith.constant 128 : i32
    %add3A_16 = arith.addi %mul3A_2, %add3A_15 : i32
    %dma_start3A_17 = arith.constant 1 : i32
    %dma_start3A_18 = arith.constant 0 : i32
    %dma_start3A_19 = tpu.memref_slice %arg7[%dma_start3A_17, %dma_start3A_18] : memref<3x128xi32, #tpu.memory_space<vmem>> -> memref<1x128xi32, #tpu.memory_space<vmem>>
    %dma_start3A_20 = tpu.memref_squeeze %dma_start3A_19 : memref<1x128xi32, #tpu.memory_space<vmem>> -> memref<128xi32, #tpu.memory_space<vmem>>
    %dma_start3A_21 = tpu.memref_slice %arg4[%add3A_16] : memref<16384xi32, #tpu.memory_space<hbm>> -> memref<128xi32, #tpu.memory_space<hbm>>
    %dma_start3A_22 = arith.constant 0 : i32
    %dma_start3A_23 = tpu.memref_slice %arg7[%dma_start3A_17, %dma_start3A_22] : memref<3x128xi32, #tpu.memory_space<vmem>> -> memref<1x128xi32, #tpu.memory_space<vmem>>
    %dma_start3A_24 = tpu.memref_squeeze %dma_start3A_23 : memref<1x128xi32, #tpu.memory_space<vmem>> -> memref<128xi32, #tpu.memory_space<vmem>>
    %dma_start3A_25 = tpu.memref_slice %arg4[%add3A_16] : memref<16384xi32, #tpu.memory_space<hbm>> -> memref<128xi32, #tpu.memory_space<hbm>>
    tpu.enqueue_dma source(%dma_start3A_25 : memref<128xi32, #tpu.memory_space<hbm>>) target(%dma_start3A_24 : memref<128xi32, #tpu.memory_space<vmem>>) target_semaphore(%arg12 : memref<!tpu.dma_semaphore, #tpu.memory_space<semaphore_mem>>)
    %add3A_26 = arith.constant 256 : i32
    %add3A_27 = arith.addi %mul3A_2, %add3A_26 : i32
    %dma_start3A_28 = arith.constant 2 : i32
    %dma_start3A_29 = arith.constant 0 : i32
    %dma_start3A_30 = tpu.memref_slice %arg7[%dma_start3A_28, %dma_start3A_29] : memref<3x128xi32, #tpu.memory_space<vmem>> -> memref<1x128xi32, #tpu.memory_space<vmem>>
    %dma_start3A_31 = tpu.memref_squeeze %dma_start3A_30 : memref<1x128xi32, #tpu.memory_space<vmem>> -> memref<128xi32, #tpu.memory_space<vmem>>
    %dma_start3A_32 = tpu.memref_slice %arg4[%add3A_27] : memref<16384xi32, #tpu.memory_space<hbm>> -> memref<128xi32, #tpu.memory_space<hbm>>
    %dma_start3A_33 = arith.constant 0 : i32
    %dma_start3A_34 = tpu.memref_slice %arg7[%dma_start3A_28, %dma_start3A_33] : memref<3x128xi32, #tpu.memory_space<vmem>> -> memref<1x128xi32, #tpu.memory_space<vmem>>
    %dma_start3A_35 = tpu.memref_squeeze %dma_start3A_34 : memref<1x128xi32, #tpu.memory_space<vmem>> -> memref<128xi32, #tpu.memory_space<vmem>>
    %dma_start3A_36 = tpu.memref_slice %arg4[%add3A_27] : memref<16384xi32, #tpu.memory_space<hbm>> -> memref<128xi32, #tpu.memory_space<hbm>>
    tpu.enqueue_dma source(%dma_start3A_36 : memref<128xi32, #tpu.memory_space<hbm>>) target(%dma_start3A_35 : memref<128xi32, #tpu.memory_space<vmem>>) target_semaphore(%arg12 : memref<!tpu.dma_semaphore, #tpu.memory_space<semaphore_mem>>)
    %dma_wait3A = arith.constant 0 : i32
    %dma_wait3A_37 = arith.constant 0 : i32
    %dma_wait3A_38 = tpu.memref_slice %arg7[%dma_wait3A, %dma_wait3A_37] : memref<3x128xi32, #tpu.memory_space<vmem>> -> memref<1x128xi32, #tpu.memory_space<vmem>>
    %dma_wait3A_39 = tpu.memref_squeeze %dma_wait3A_38 : memref<1x128xi32, #tpu.memory_space<vmem>> -> memref<128xi32, #tpu.memory_space<vmem>>
    %dma_wait3A_40 = tpu.memref_slice %arg4[%add3A_6] : memref<16384xi32, #tpu.memory_space<hbm>> -> memref<128xi32, #tpu.memory_space<hbm>>
    %dma_wait3A_41 = arith.constant 0 : i32
    %dma_wait3A_42 = tpu.memref_slice %arg7[%dma_wait3A, %dma_wait3A_41] : memref<3x128xi32, #tpu.memory_space<vmem>> -> memref<1x128xi32, #tpu.memory_space<vmem>>
    %dma_wait3A_43 = tpu.memref_squeeze %dma_wait3A_42 : memref<1x128xi32, #tpu.memory_space<vmem>> -> memref<128xi32, #tpu.memory_space<vmem>>
    %dma_wait3A_44 = tpu.memref_slice %arg4[%add3A_6] : memref<16384xi32, #tpu.memory_space<hbm>> -> memref<128xi32, #tpu.memory_space<hbm>>
    tpu.wait_dma2 semaphore(%arg12 : memref<!tpu.dma_semaphore, #tpu.memory_space<semaphore_mem>>) src(%dma_wait3A_44 : memref<128xi32, #tpu.memory_space<hbm>>) dst(%dma_wait3A_43 : memref<128xi32, #tpu.memory_space<vmem>>)
    %dma_wait3A_45 = arith.constant 1 : i32
    %dma_wait3A_46 = arith.constant 0 : i32
    %dma_wait3A_47 = tpu.memref_slice %arg7[%dma_wait3A_45, %dma_wait3A_46] : memref<3x128xi32, #tpu.memory_space<vmem>> -> memref<1x128xi32, #tpu.memory_space<vmem>>
    %dma_wait3A_48 = tpu.memref_squeeze %dma_wait3A_47 : memref<1x128xi32, #tpu.memory_space<vmem>> -> memref<128xi32, #tpu.memory_space<vmem>>
    %dma_wait3A_49 = tpu.memref_slice %arg4[%add3A_16] : memref<16384xi32, #tpu.memory_space<hbm>> -> memref<128xi32, #tpu.memory_space<hbm>>
    %dma_wait3A_50 = arith.constant 0 : i32
    %dma_wait3A_51 = tpu.memref_slice %arg7[%dma_wait3A_45, %dma_wait3A_50] : memref<3x128xi32, #tpu.memory_space<vmem>> -> memref<1x128xi32, #tpu.memory_space<vmem>>
    %dma_wait3A_52 = tpu.memref_squeeze %dma_wait3A_51 : memref<1x128xi32, #tpu.memory_space<vmem>> -> memref<128xi32, #tpu.memory_space<vmem>>
    %dma_wait3A_53 = tpu.memref_slice %arg4[%add3A_16] : memref<16384xi32, #tpu.memory_space<hbm>> -> memref<128xi32, #tpu.memory_space<hbm>>
    tpu.wait_dma2 semaphore(%arg12 : memref<!tpu.dma_semaphore, #tpu.memory_space<semaphore_mem>>) src(%dma_wait3A_53 : memref<128xi32, #tpu.memory_space<hbm>>) dst(%dma_wait3A_52 : memref<128xi32, #tpu.memory_space<vmem>>)
    %dma_wait3A_54 = arith.constant 2 : i32
    %dma_wait3A_55 = arith.constant 0 : i32
    %dma_wait3A_56 = tpu.memref_slice %arg7[%dma_wait3A_54, %dma_wait3A_55] : memref<3x128xi32, #tpu.memory_space<vmem>> -> memref<1x128xi32, #tpu.memory_space<vmem>>
    %dma_wait3A_57 = tpu.memref_squeeze %dma_wait3A_56 : memref<1x128xi32, #tpu.memory_space<vmem>> -> memref<128xi32, #tpu.memory_space<vmem>>
    %dma_wait3A_58 = tpu.memref_slice %arg4[%add3A_27] : memref<16384xi32, #tpu.memory_space<hbm>> -> memref<128xi32, #tpu.memory_space<hbm>>
    %dma_wait3A_59 = arith.constant 0 : i32
    %dma_wait3A_60 = tpu.memref_slice %arg7[%dma_wait3A_54, %dma_wait3A_59] : memref<3x128xi32, #tpu.memory_space<vmem>> -> memref<1x128xi32, #tpu.memory_space<vmem>>
    %dma_wait3A_61 = tpu.memref_squeeze %dma_wait3A_60 : memref<1x128xi32, #tpu.memory_space<vmem>> -> memref<128xi32, #tpu.memory_space<vmem>>
    %dma_wait3A_62 = tpu.memref_slice %arg4[%add3A_27] : memref<16384xi32, #tpu.memory_space<hbm>> -> memref<128xi32, #tpu.memory_space<hbm>>
    tpu.wait_dma2 semaphore(%arg12 : memref<!tpu.dma_semaphore, #tpu.memory_space<semaphore_mem>>) src(%dma_wait3A_62 : memref<128xi32, #tpu.memory_space<hbm>>) dst(%dma_wait3A_61 : memref<128xi32, #tpu.memory_space<vmem>>)
    %add3A_63 = arith.constant 0 : i32
    %add3A_64 = arith.addi %mul3A_2, %add3A_63 : i32
    %dma_start3A_65 = arith.constant 0 : i32
    %dma_start3A_66 = arith.constant 0 : i32
    %dma_start3A_67 = arith.constant 0 : i32
    %dma_start3A_68 = arith.constant 0 : i32
    %dma_start3A_69 = tpu.memref_slice %arg10[%dma_start3A_66, %dma_start3A_67, %dma_start3A_68] : memref<2x128x128xf32, #tpu.memory_space<vmem>> -> memref<1x128x128xf32, #tpu.memory_space<vmem>>
    %dma_start3A_70 = tpu.memref_squeeze %dma_start3A_69 : memref<1x128x128xf32, #tpu.memory_space<vmem>> -> memref<128x128xf32, #tpu.memory_space<vmem>>
    %dma_start3A_71 = arith.constant 0 : i32
    %dma_start3A_72 = tpu.memref_slice %arg7[%dma_start3A_65, %dma_start3A_71] : memref<3x128xi32, #tpu.memory_space<vmem>> -> memref<1x128xi32, #tpu.memory_space<vmem>>
    %dma_start3A_73 = tpu.memref_squeeze %dma_start3A_72 : memref<1x128xi32, #tpu.memory_space<vmem>> -> memref<128xi32, #tpu.memory_space<vmem>>
    %dma_start3A_74 = arith.constant 0 : i32
    %dma_start3A_75 = arith.constant 0 : i32
    %dma_start3A_76 = tpu.memref_slice %arg5[%dma_start3A_74, %dma_start3A_75] : memref<1000x128xf32, #tpu.memory_space<hbm>> -> memref<1000x128xf32, #tpu.memory_space<hbm>>
    tpu.enqueue_indirect_dma source(%dma_start3A_76 : memref<1000x128xf32, #tpu.memory_space<hbm>>) target(%dma_start3A_70 : memref<128x128xf32, #tpu.memory_space<vmem>>) offsets(%dma_start3A_73 : memref<128xi32, #tpu.memory_space<vmem>>) semaphore(%arg13 : memref<!tpu.dma_semaphore, #tpu.memory_space<semaphore_mem>>)
    %dma_start3A_77 = arith.constant 0 : i32
    %dma_start3A_78 = arith.constant 0 : i32
    %dma_start3A_79 = arith.constant 0 : i32
    %dma_start3A_80 = tpu.memref_slice %arg8[%dma_start3A_77, %dma_start3A_78, %dma_start3A_79] : memref<2x128x128xf32, #tpu.memory_space<vmem>> -> memref<1x128x128xf32, #tpu.memory_space<vmem>>
    %dma_start3A_81 = tpu.memref_squeeze %dma_start3A_80 : memref<1x128x128xf32, #tpu.memory_space<vmem>> -> memref<128x128xf32, #tpu.memory_space<vmem>>
    %dma_start3A_82 = arith.constant 0 : i32
    %dma_start3A_83 = tpu.memref_slice %arg2[%add3A_64, %dma_start3A_82] : memref<16384x128xf32, #tpu.memory_space<hbm>> -> memref<128x128xf32, #tpu.memory_space<hbm>>
    %dma_start3A_84 = arith.constant 0 : i32
    %dma_start3A_85 = arith.constant 0 : i32
    %dma_start3A_86 = tpu.memref_slice %arg8[%dma_start3A_77, %dma_start3A_84, %dma_start3A_85] : memref<2x128x128xf32, #tpu.memory_space<vmem>> -> memref<1x128x128xf32, #tpu.memory_space<vmem>>
    %dma_start3A_87 = tpu.memref_squeeze %dma_start3A_86 : memref<1x128x128xf32, #tpu.memory_space<vmem>> -> memref<128x128xf32, #tpu.memory_space<vmem>>
    %dma_start3A_88 = arith.constant 0 : i32
    %dma_start3A_89 = tpu.memref_slice %arg2[%add3A_64, %dma_start3A_88] : memref<16384x128xf32, #tpu.memory_space<hbm>> -> memref<128x128xf32, #tpu.memory_space<hbm>>
    tpu.enqueue_dma source(%dma_start3A_89 : memref<128x128xf32, #tpu.memory_space<hbm>>) target(%dma_start3A_87 : memref<128x128xf32, #tpu.memory_space<vmem>>) target_semaphore(%arg13 : memref<!tpu.dma_semaphore, #tpu.memory_space<semaphore_mem>>)
    %dma_start3A_90 = arith.constant 0 : i32
    %dma_start3A_91 = arith.constant 0 : i32
    %dma_start3A_92 = arith.constant 0 : i32
    %dma_start3A_93 = tpu.memref_slice %arg9[%dma_start3A_90, %dma_start3A_91, %dma_start3A_92] : memref<2x128x128xf32, #tpu.memory_space<vmem>> -> memref<1x128x128xf32, #tpu.memory_space<vmem>>
    %dma_start3A_94 = tpu.memref_squeeze %dma_start3A_93 : memref<1x128x128xf32, #tpu.memory_space<vmem>> -> memref<128x128xf32, #tpu.memory_space<vmem>>
    %dma_start3A_95 = arith.constant 0 : i32
    %dma_start3A_96 = tpu.memref_slice %arg3[%add3A_64, %dma_start3A_95] : memref<16384x128xf32, #tpu.memory_space<hbm>> -> memref<128x128xf32, #tpu.memory_space<hbm>>
    %dma_start3A_97 = arith.constant 0 : i32
    %dma_start3A_98 = arith.constant 0 : i32
    %dma_start3A_99 = tpu.memref_slice %arg9[%dma_start3A_90, %dma_start3A_97, %dma_start3A_98] : memref<2x128x128xf32, #tpu.memory_space<vmem>> -> memref<1x128x128xf32, #tpu.memory_space<vmem>>
    %dma_start3A_100 = tpu.memref_squeeze %dma_start3A_99 : memref<1x128x128xf32, #tpu.memory_space<vmem>> -> memref<128x128xf32, #tpu.memory_space<vmem>>
    %dma_start3A_101 = arith.constant 0 : i32
    %dma_start3A_102 = tpu.memref_slice %arg3[%add3A_64, %dma_start3A_101] : memref<16384x128xf32, #tpu.memory_space<hbm>> -> memref<128x128xf32, #tpu.memory_space<hbm>>
    tpu.enqueue_dma source(%dma_start3A_102 : memref<128x128xf32, #tpu.memory_space<hbm>>) target(%dma_start3A_100 : memref<128x128xf32, #tpu.memory_space<vmem>>) target_semaphore(%arg13 : memref<!tpu.dma_semaphore, #tpu.memory_space<semaphore_mem>>)
    %add3A_103 = arith.constant 128 : i32
    %add3A_104 = arith.addi %mul3A_2, %add3A_103 : i32
    %dma_start3A_105 = arith.constant 1 : i32
    %dma_start3A_106 = arith.constant 1 : i32
    %dma_start3A_107 = arith.constant 0 : i32
    %dma_start3A_108 = arith.constant 0 : i32
    %dma_start3A_109 = tpu.memref_slice %arg10[%dma_start3A_106, %dma_start3A_107, %dma_start3A_108] : memref<2x128x128xf32, #tpu.memory_space<vmem>> -> memref<1x128x128xf32, #tpu.memory_space<vmem>>
    %dma_start3A_110 = tpu.memref_squeeze %dma_start3A_109 : memref<1x128x128xf32, #tpu.memory_space<vmem>> -> memref<128x128xf32, #tpu.memory_space<vmem>>
    %dma_start3A_111 = arith.constant 0 : i32
    %dma_start3A_112 = tpu.memref_slice %arg7[%dma_start3A_105, %dma_start3A_111] : memref<3x128xi32, #tpu.memory_space<vmem>> -> memref<1x128xi32, #tpu.memory_space<vmem>>
    %dma_start3A_113 = tpu.memref_squeeze %dma_start3A_112 : memref<1x128xi32, #tpu.memory_space<vmem>> -> memref<128xi32, #tpu.memory_space<vmem>>
    %dma_start3A_114 = arith.constant 0 : i32
    %dma_start3A_115 = arith.constant 0 : i32
    %dma_start3A_116 = tpu.memref_slice %arg5[%dma_start3A_114, %dma_start3A_115] : memref<1000x128xf32, #tpu.memory_space<hbm>> -> memref<1000x128xf32, #tpu.memory_space<hbm>>
    tpu.enqueue_indirect_dma source(%dma_start3A_116 : memref<1000x128xf32, #tpu.memory_space<hbm>>) target(%dma_start3A_110 : memref<128x128xf32, #tpu.memory_space<vmem>>) offsets(%dma_start3A_113 : memref<128xi32, #tpu.memory_space<vmem>>) semaphore(%arg14 : memref<!tpu.dma_semaphore, #tpu.memory_space<semaphore_mem>>)
    %dma_start3A_117 = arith.constant 1 : i32
    %dma_start3A_118 = arith.constant 0 : i32
    %dma_start3A_119 = arith.constant 0 : i32
    %dma_start3A_120 = tpu.memref_slice %arg8[%dma_start3A_117, %dma_start3A_118, %dma_start3A_119] : memref<2x128x128xf32, #tpu.memory_space<vmem>> -> memref<1x128x128xf32, #tpu.memory_space<vmem>>
    %dma_start3A_121 = tpu.memref_squeeze %dma_start3A_120 : memref<1x128x128xf32, #tpu.memory_space<vmem>> -> memref<128x128xf32, #tpu.memory_space<vmem>>
    %dma_start3A_122 = arith.constant 0 : i32
    %dma_start3A_123 = tpu.memref_slice %arg2[%add3A_104, %dma_start3A_122] : memref<16384x128xf32, #tpu.memory_space<hbm>> -> memref<128x128xf32, #tpu.memory_space<hbm>>
    %dma_start3A_124 = arith.constant 0 : i32
    %dma_start3A_125 = arith.constant 0 : i32
    %dma_start3A_126 = tpu.memref_slice %arg8[%dma_start3A_117, %dma_start3A_124, %dma_start3A_125] : memref<2x128x128xf32, #tpu.memory_space<vmem>> -> memref<1x128x128xf32, #tpu.memory_space<vmem>>
    %dma_start3A_127 = tpu.memref_squeeze %dma_start3A_126 : memref<1x128x128xf32, #tpu.memory_space<vmem>> -> memref<128x128xf32, #tpu.memory_space<vmem>>
    %dma_start3A_128 = arith.constant 0 : i32
    %dma_start3A_129 = tpu.memref_slice %arg2[%add3A_104, %dma_start3A_128] : memref<16384x128xf32, #tpu.memory_space<hbm>> -> memref<128x128xf32, #tpu.memory_space<hbm>>
    tpu.enqueue_dma source(%dma_start3A_129 : memref<128x128xf32, #tpu.memory_space<hbm>>) target(%dma_start3A_127 : memref<128x128xf32, #tpu.memory_space<vmem>>) target_semaphore(%arg14 : memref<!tpu.dma_semaphore, #tpu.memory_space<semaphore_mem>>)
    %dma_start3A_130 = arith.constant 1 : i32
    %dma_start3A_131 = arith.constant 0 : i32
    %dma_start3A_132 = arith.constant 0 : i32
    %dma_start3A_133 = tpu.memref_slice %arg9[%dma_start3A_130, %dma_start3A_131, %dma_start3A_132] : memref<2x128x128xf32, #tpu.memory_space<vmem>> -> memref<1x128x128xf32, #tpu.memory_space<vmem>>
    %dma_start3A_134 = tpu.memref_squeeze %dma_start3A_133 : memref<1x128x128xf32, #tpu.memory_space<vmem>> -> memref<128x128xf32, #tpu.memory_space<vmem>>
    %dma_start3A_135 = arith.constant 0 : i32
    %dma_start3A_136 = tpu.memref_slice %arg3[%add3A_104, %dma_start3A_135] : memref<16384x128xf32, #tpu.memory_space<hbm>> -> memref<128x128xf32, #tpu.memory_space<hbm>>
    %dma_start3A_137 = arith.constant 0 : i32
    %dma_start3A_138 = arith.constant 0 : i32
    %dma_start3A_139 = tpu.memref_slice %arg9[%dma_start3A_130, %dma_start3A_137, %dma_start3A_138] : memref<2x128x128xf32, #tpu.memory_space<vmem>> -> memref<1x128x128xf32, #tpu.memory_space<vmem>>
    %dma_start3A_140 = tpu.memref_squeeze %dma_start3A_139 : memref<1x128x128xf32, #tpu.memory_space<vmem>> -> memref<128x128xf32, #tpu.memory_space<vmem>>
    %dma_start3A_141 = arith.constant 0 : i32
    %dma_start3A_142 = tpu.memref_slice %arg3[%add3A_104, %dma_start3A_141] : memref<16384x128xf32, #tpu.memory_space<hbm>> -> memref<128x128xf32, #tpu.memory_space<hbm>>
    tpu.enqueue_dma source(%dma_start3A_142 : memref<128x128xf32, #tpu.memory_space<hbm>>) target(%dma_start3A_140 : memref<128x128xf32, #tpu.memory_space<vmem>>) target_semaphore(%arg14 : memref<!tpu.dma_semaphore, #tpu.memory_space<semaphore_mem>>)
    %dma_wait3A_143 = arith.constant 0 : i32
    %dma_wait3A_144 = arith.constant 0 : i32
    %dma_wait3A_145 = arith.constant 0 : i32
    %dma_wait3A_146 = arith.constant 0 : i32
    %dma_wait3A_147 = tpu.memref_slice %arg10[%dma_wait3A_144, %dma_wait3A_145, %dma_wait3A_146] : memref<2x128x128xf32, #tpu.memory_space<vmem>> -> memref<1x128x128xf32, #tpu.memory_space<vmem>>
    %dma_wait3A_148 = tpu.memref_squeeze %dma_wait3A_147 : memref<1x128x128xf32, #tpu.memory_space<vmem>> -> memref<128x128xf32, #tpu.memory_space<vmem>>
    %dma_wait3A_149 = arith.constant 0 : i32
    %dma_wait3A_150 = tpu.memref_slice %arg7[%dma_wait3A_143, %dma_wait3A_149] : memref<3x128xi32, #tpu.memory_space<vmem>> -> memref<1x128xi32, #tpu.memory_space<vmem>>
    %dma_wait3A_151 = tpu.memref_squeeze %dma_wait3A_150 : memref<1x128xi32, #tpu.memory_space<vmem>> -> memref<128xi32, #tpu.memory_space<vmem>>
    %dma_wait3A_152 = arith.constant 0 : i32
    %dma_wait3A_153 = arith.constant 0 : i32
    %dma_wait3A_154 = tpu.memref_slice %arg5[%dma_wait3A_152, %dma_wait3A_153] : memref<1000x128xf32, #tpu.memory_space<hbm>> -> memref<1000x128xf32, #tpu.memory_space<hbm>>
    tpu.wait_indirect_dma semaphore(%arg13 : memref<!tpu.dma_semaphore, #tpu.memory_space<semaphore_mem>>) src(%dma_wait3A_154 : memref<1000x128xf32, #tpu.memory_space<hbm>>) dst(%dma_wait3A_148 : memref<128x128xf32, #tpu.memory_space<vmem>>)
    %dma_wait3A_155 = arith.constant 0 : i32
    %dma_wait3A_156 = arith.constant 0 : i32
    %dma_wait3A_157 = arith.constant 0 : i32
    %dma_wait3A_158 = tpu.memref_slice %arg8[%dma_wait3A_155, %dma_wait3A_156, %dma_wait3A_157] : memref<2x128x128xf32, #tpu.memory_space<vmem>> -> memref<1x128x128xf32, #tpu.memory_space<vmem>>
    %dma_wait3A_159 = tpu.memref_squeeze %dma_wait3A_158 : memref<1x128x128xf32, #tpu.memory_space<vmem>> -> memref<128x128xf32, #tpu.memory_space<vmem>>
    %dma_wait3A_160 = arith.constant 0 : i32
    %dma_wait3A_161 = tpu.memref_slice %arg2[%add3A_64, %dma_wait3A_160] : memref<16384x128xf32, #tpu.memory_space<hbm>> -> memref<128x128xf32, #tpu.memory_space<hbm>>
    %dma_wait3A_162 = arith.constant 0 : i32
    %dma_wait3A_163 = arith.constant 0 : i32
    %dma_wait3A_164 = tpu.memref_slice %arg8[%dma_wait3A_155, %dma_wait3A_162, %dma_wait3A_163] : memref<2x128x128xf32, #tpu.memory_space<vmem>> -> memref<1x128x128xf32, #tpu.memory_space<vmem>>
    %dma_wait3A_165 = tpu.memref_squeeze %dma_wait3A_164 : memref<1x128x128xf32, #tpu.memory_space<vmem>> -> memref<128x128xf32, #tpu.memory_space<vmem>>
    %dma_wait3A_166 = arith.constant 0 : i32
    %dma_wait3A_167 = tpu.memref_slice %arg2[%add3A_64, %dma_wait3A_166] : memref<16384x128xf32, #tpu.memory_space<hbm>> -> memref<128x128xf32, #tpu.memory_space<hbm>>
    tpu.wait_dma2 semaphore(%arg13 : memref<!tpu.dma_semaphore, #tpu.memory_space<semaphore_mem>>) src(%dma_wait3A_167 : memref<128x128xf32, #tpu.memory_space<hbm>>) dst(%dma_wait3A_165 : memref<128x128xf32, #tpu.memory_space<vmem>>)
    %dma_wait3A_168 = arith.constant 0 : i32
    %dma_wait3A_169 = arith.constant 0 : i32
    %dma_wait3A_170 = arith.constant 0 : i32
    %dma_wait3A_171 = tpu.memref_slice %arg9[%dma_wait3A_168, %dma_wait3A_169, %dma_wait3A_170] : memref<2x128x128xf32, #tpu.memory_space<vmem>> -> memref<1x128x128xf32, #tpu.memory_space<vmem>>
    %dma_wait3A_172 = tpu.memref_squeeze %dma_wait3A_171 : memref<1x128x128xf32, #tpu.memory_space<vmem>> -> memref<128x128xf32, #tpu.memory_space<vmem>>
    %dma_wait3A_173 = arith.constant 0 : i32
    %dma_wait3A_174 = tpu.memref_slice %arg3[%add3A_64, %dma_wait3A_173] : memref<16384x128xf32, #tpu.memory_space<hbm>> -> memref<128x128xf32, #tpu.memory_space<hbm>>
    %dma_wait3A_175 = arith.constant 0 : i32
    %dma_wait3A_176 = arith.constant 0 : i32
    %dma_wait3A_177 = tpu.memref_slice %arg9[%dma_wait3A_168, %dma_wait3A_175, %dma_wait3A_176] : memref<2x128x128xf32, #tpu.memory_space<vmem>> -> memref<1x128x128xf32, #tpu.memory_space<vmem>>
    %dma_wait3A_178 = tpu.memref_squeeze %dma_wait3A_177 : memref<1x128x128xf32, #tpu.memory_space<vmem>> -> memref<128x128xf32, #tpu.memory_space<vmem>>
    %dma_wait3A_179 = arith.constant 0 : i32
    %dma_wait3A_180 = tpu.memref_slice %arg3[%add3A_64, %dma_wait3A_179] : memref<16384x128xf32, #tpu.memory_space<hbm>> -> memref<128x128xf32, #tpu.memory_space<hbm>>
    tpu.wait_dma2 semaphore(%arg13 : memref<!tpu.dma_semaphore, #tpu.memory_space<semaphore_mem>>) src(%dma_wait3A_180 : memref<128x128xf32, #tpu.memory_space<hbm>>) dst(%dma_wait3A_178 : memref<128x128xf32, #tpu.memory_space<vmem>>)
    %parallel_loop3A = arith.constant 0 : i32
    %parallel_loop3A_181 = arith.constant 128 : i32
    %parallel_loop3A_182 = arith.constant 1 : i32
    scf.for %parallel_loop3A_365 = %parallel_loop3A to %parallel_loop3A_181 step %parallel_loop3A_182  : i32 {
      %parallel_loop3A_366 = arith.constant 0.000000e+00 : f32
      %parallel_loop3A_367 = vector.broadcast %parallel_loop3A_366 : f32 to vector<16xf32>
      %parallel_loop3A_368 = arith.constant 0.000000e+00 : f32
      %parallel_loop3A_369 = vector.broadcast %parallel_loop3A_368 : f32 to vector<16xf32>
      %parallel_loop3A_370 = arith.constant 0.000000e+00 : f32
      %parallel_loop3A_371 = vector.broadcast %parallel_loop3A_370 : f32 to vector<16xf32>
      %parallel_loop3A_372 = arith.constant 0.000000e+00 : f32
      %parallel_loop3A_373 = vector.broadcast %parallel_loop3A_372 : f32 to vector<16xf32>
      %parallel_loop3A_374 = arith.constant 0 : i32
      %parallel_loop3A_375 = arith.index_cast %parallel_loop3A_374 : i32 to index
      %parallel_loop3A_376 = arith.index_cast %parallel_loop3A_365 : i32 to index
      %parallel_loop3A_377 = arith.constant 0 : index
      %parallel_loop3A_378 = tpu.vector_load %arg8[%parallel_loop3A_375, %parallel_loop3A_376, %parallel_loop3A_377] {strides = array<i32>} : memref<2x128x128xf32, #tpu.memory_space<vmem>>, vector<16xf32>,
      %parallel_loop3A_379 = arith.constant 0 : i32
      %parallel_loop3A_380 = arith.index_cast %parallel_loop3A_379 : i32 to index
      %parallel_loop3A_381 = arith.index_cast %parallel_loop3A_365 : i32 to index
      %parallel_loop3A_382 = arith.constant 0 : index
      %parallel_loop3A_383 = tpu.vector_load %arg10[%parallel_loop3A_380, %parallel_loop3A_381, %parallel_loop3A_382] {strides = array<i32>} : memref<2x128x128xf32, #tpu.memory_space<vmem>>, vector<16xf32>,
      %parallel_loop3A_384 = arith.mulf %parallel_loop3A_378, %parallel_loop3A_383 : vector<16xf32>
      %parallel_loop3A_385 = arith.constant 0 : i32
      %parallel_loop3A_386 = arith.index_cast %parallel_loop3A_385 : i32 to index
      %parallel_loop3A_387 = arith.index_cast %parallel_loop3A_365 : i32 to index
      %parallel_loop3A_388 = arith.constant 0 : index
      %parallel_loop3A_389 = tpu.vector_load %arg9[%parallel_loop3A_386, %parallel_loop3A_387, %parallel_loop3A_388] {strides = array<i32>} : memref<2x128x128xf32, #tpu.memory_space<vmem>>, vector<16xf32>,
      %parallel_loop3A_390 = arith.mulf %parallel_loop3A_384, %parallel_loop3A_389 : vector<16xf32>
      %parallel_loop3A_391 = arith.addf %parallel_loop3A_367, %parallel_loop3A_390 : vector<16xf32>
      %parallel_loop3A_392 = arith.constant 0 : i32
      %parallel_loop3A_393 = arith.index_cast %parallel_loop3A_392 : i32 to index
      %parallel_loop3A_394 = arith.index_cast %parallel_loop3A_365 : i32 to index
      %parallel_loop3A_395 = arith.constant 16 : index
      %parallel_loop3A_396 = tpu.vector_load %arg8[%parallel_loop3A_393, %parallel_loop3A_394, %parallel_loop3A_395] {strides = array<i32>} : memref<2x128x128xf32, #tpu.memory_space<vmem>>, vector<16xf32>,
      %parallel_loop3A_397 = arith.constant 0 : i32
      %parallel_loop3A_398 = arith.index_cast %parallel_loop3A_397 : i32 to index
      %parallel_loop3A_399 = arith.index_cast %parallel_loop3A_365 : i32 to index
      %parallel_loop3A_400 = arith.constant 16 : index
      %parallel_loop3A_401 = tpu.vector_load %arg10[%parallel_loop3A_398, %parallel_loop3A_399, %parallel_loop3A_400] {strides = array<i32>} : memref<2x128x128xf32, #tpu.memory_space<vmem>>, vector<16xf32>,
      %parallel_loop3A_402 = arith.mulf %parallel_loop3A_396, %parallel_loop3A_401 : vector<16xf32>
      %parallel_loop3A_403 = arith.constant 0 : i32
      %parallel_loop3A_404 = arith.index_cast %parallel_loop3A_403 : i32 to index
      %parallel_loop3A_405 = arith.index_cast %parallel_loop3A_365 : i32 to index
      %parallel_loop3A_406 = arith.constant 16 : index
      %parallel_loop3A_407 = tpu.vector_load %arg9[%parallel_loop3A_404, %parallel_loop3A_405, %parallel_loop3A_406] {strides = array<i32>} : memref<2x128x128xf32, #tpu.memory_space<vmem>>, vector<16xf32>,
      %parallel_loop3A_408 = arith.mulf %parallel_loop3A_402, %parallel_loop3A_407 : vector<16xf32>
      %parallel_loop3A_409 = arith.addf %parallel_loop3A_369, %parallel_loop3A_408 : vector<16xf32>
      %parallel_loop3A_410 = arith.constant 0 : i32
      %parallel_loop3A_411 = arith.index_cast %parallel_loop3A_410 : i32 to index
      %parallel_loop3A_412 = arith.index_cast %parallel_loop3A_365 : i32 to index
      %parallel_loop3A_413 = arith.constant 32 : index
      %parallel_loop3A_414 = tpu.vector_load %arg8[%parallel_loop3A_411, %parallel_loop3A_412, %parallel_loop3A_413] {strides = array<i32>} : memref<2x128x128xf32, #tpu.memory_space<vmem>>, vector<16xf32>,
      %parallel_loop3A_415 = arith.constant 0 : i32
      %parallel_loop3A_416 = arith.index_cast %parallel_loop3A_415 : i32 to index
      %parallel_loop3A_417 = arith.index_cast %parallel_loop3A_365 : i32 to index
      %parallel_loop3A_418 = arith.constant 32 : index
      %parallel_loop3A_419 = tpu.vector_load %arg10[%parallel_loop3A_416, %parallel_loop3A_417, %parallel_loop3A_418] {strides = array<i32>} : memref<2x128x128xf32, #tpu.memory_space<vmem>>, vector<16xf32>,
      %parallel_loop3A_420 = arith.mulf %parallel_loop3A_414, %parallel_loop3A_419 : vector<16xf32>
      %parallel_loop3A_421 = arith.constant 0 : i32
      %parallel_loop3A_422 = arith.index_cast %parallel_loop3A_421 : i32 to index
      %parallel_loop3A_423 = arith.index_cast %parallel_loop3A_365 : i32 to index
      %parallel_loop3A_424 = arith.constant 32 : index
      %parallel_loop3A_425 = tpu.vector_load %arg9[%parallel_loop3A_422, %parallel_loop3A_423, %parallel_loop3A_424] {strides = array<i32>} : memref<2x128x128xf32, #tpu.memory_space<vmem>>, vector<16xf32>,
      %parallel_loop3A_426 = arith.mulf %parallel_loop3A_420, %parallel_loop3A_425 : vector<16xf32>
      %parallel_loop3A_427 = arith.addf %parallel_loop3A_371, %parallel_loop3A_426 : vector<16xf32>
      %parallel_loop3A_428 = arith.constant 0 : i32
      %parallel_loop3A_429 = arith.index_cast %parallel_loop3A_428 : i32 to index
      %parallel_loop3A_430 = arith.index_cast %parallel_loop3A_365 : i32 to index
      %parallel_loop3A_431 = arith.constant 48 : index
      %parallel_loop3A_432 = tpu.vector_load %arg8[%parallel_loop3A_429, %parallel_loop3A_430, %parallel_loop3A_431] {strides = array<i32>} : memref<2x128x128xf32, #tpu.memory_space<vmem>>, vector<16xf32>,
      %parallel_loop3A_433 = arith.constant 0 : i32
      %parallel_loop3A_434 = arith.index_cast %parallel_loop3A_433 : i32 to index
      %parallel_loop3A_435 = arith.index_cast %parallel_loop3A_365 : i32 to index
      %parallel_loop3A_436 = arith.constant 48 : index
      %parallel_loop3A_437 = tpu.vector_load %arg10[%parallel_loop3A_434, %parallel_loop3A_435, %parallel_loop3A_436] {strides = array<i32>} : memref<2x128x128xf32, #tpu.memory_space<vmem>>, vector<16xf32>,
      %parallel_loop3A_438 = arith.mulf %parallel_loop3A_432, %parallel_loop3A_437 : vector<16xf32>
      %parallel_loop3A_439 = arith.constant 0 : i32
      %parallel_loop3A_440 = arith.index_cast %parallel_loop3A_439 : i32 to index
      %parallel_loop3A_441 = arith.index_cast %parallel_loop3A_365 : i32 to index
      %parallel_loop3A_442 = arith.constant 48 : index
      %parallel_loop3A_443 = tpu.vector_load %arg9[%parallel_loop3A_440, %parallel_loop3A_441, %parallel_loop3A_442] {strides = array<i32>} : memref<2x128x128xf32, #tpu.memory_space<vmem>>, vector<16xf32>,
      %parallel_loop3A_444 = arith.mulf %parallel_loop3A_438, %parallel_loop3A_443 : vector<16xf32>
      %parallel_loop3A_445 = arith.addf %parallel_loop3A_373, %parallel_loop3A_444 : vector<16xf32>
      %parallel_loop3A_446 = arith.constant 0 : i32
      %parallel_loop3A_447 = arith.index_cast %parallel_loop3A_446 : i32 to index
      %parallel_loop3A_448 = arith.index_cast %parallel_loop3A_365 : i32 to index
      %parallel_loop3A_449 = arith.constant 64 : index
      %parallel_loop3A_450 = tpu.vector_load %arg8[%parallel_loop3A_447, %parallel_loop3A_448, %parallel_loop3A_449] {strides = array<i32>} : memref<2x128x128xf32, #tpu.memory_space<vmem>>, vector<16xf32>,
      %parallel_loop3A_451 = arith.constant 0 : i32
      %parallel_loop3A_452 = arith.index_cast %parallel_loop3A_451 : i32 to index
      %parallel_loop3A_453 = arith.index_cast %parallel_loop3A_365 : i32 to index
      %parallel_loop3A_454 = arith.constant 64 : index
      %parallel_loop3A_455 = tpu.vector_load %arg10[%parallel_loop3A_452, %parallel_loop3A_453, %parallel_loop3A_454] {strides = array<i32>} : memref<2x128x128xf32, #tpu.memory_space<vmem>>, vector<16xf32>,
      %parallel_loop3A_456 = arith.mulf %parallel_loop3A_450, %parallel_loop3A_455 : vector<16xf32>
      %parallel_loop3A_457 = arith.constant 0 : i32
      %parallel_loop3A_458 = arith.index_cast %parallel_loop3A_457 : i32 to index
      %parallel_loop3A_459 = arith.index_cast %parallel_loop3A_365 : i32 to index
      %parallel_loop3A_460 = arith.constant 64 : index
      %parallel_loop3A_461 = tpu.vector_load %arg9[%parallel_loop3A_458, %parallel_loop3A_459, %parallel_loop3A_460] {strides = array<i32>} : memref<2x128x128xf32, #tpu.memory_space<vmem>>, vector<16xf32>,
      %parallel_loop3A_462 = arith.mulf %parallel_loop3A_456, %parallel_loop3A_461 : vector<16xf32>
      %parallel_loop3A_463 = arith.addf %parallel_loop3A_391, %parallel_loop3A_462 : vector<16xf32>
      %parallel_loop3A_464 = arith.constant 0 : i32
      %parallel_loop3A_465 = arith.index_cast %parallel_loop3A_464 : i32 to index
      %parallel_loop3A_466 = arith.index_cast %parallel_loop3A_365 : i32 to index
      %parallel_loop3A_467 = arith.constant 80 : index
      %parallel_loop3A_468 = tpu.vector_load %arg8[%parallel_loop3A_465, %parallel_loop3A_466, %parallel_loop3A_467] {strides = array<i32>} : memref<2x128x128xf32, #tpu.memory_space<vmem>>, vector<16xf32>,
      %parallel_loop3A_469 = arith.constant 0 : i32
      %parallel_loop3A_470 = arith.index_cast %parallel_loop3A_469 : i32 to index
      %parallel_loop3A_471 = arith.index_cast %parallel_loop3A_365 : i32 to index
      %parallel_loop3A_472 = arith.constant 80 : index
      %parallel_loop3A_473 = tpu.vector_load %arg10[%parallel_loop3A_470, %parallel_loop3A_471, %parallel_loop3A_472] {strides = array<i32>} : memref<2x128x128xf32, #tpu.memory_space<vmem>>, vector<16xf32>,
      %parallel_loop3A_474 = arith.mulf %parallel_loop3A_468, %parallel_loop3A_473 : vector<16xf32>
      %parallel_loop3A_475 = arith.constant 0 : i32
      %parallel_loop3A_476 = arith.index_cast %parallel_loop3A_475 : i32 to index
      %parallel_loop3A_477 = arith.index_cast %parallel_loop3A_365 : i32 to index
      %parallel_loop3A_478 = arith.constant 80 : index
      %parallel_loop3A_479 = tpu.vector_load %arg9[%parallel_loop3A_476, %parallel_loop3A_477, %parallel_loop3A_478] {strides = array<i32>} : memref<2x128x128xf32, #tpu.memory_space<vmem>>, vector<16xf32>,
      %parallel_loop3A_480 = arith.mulf %parallel_loop3A_474, %parallel_loop3A_479 : vector<16xf32>
      %parallel_loop3A_481 = arith.addf %parallel_loop3A_409, %parallel_loop3A_480 : vector<16xf32>
      %parallel_loop3A_482 = arith.constant 0 : i32
      %parallel_loop3A_483 = arith.index_cast %parallel_loop3A_482 : i32 to index
      %parallel_loop3A_484 = arith.index_cast %parallel_loop3A_365 : i32 to index
      %parallel_loop3A_485 = arith.constant 96 : index
      %parallel_loop3A_486 = tpu.vector_load %arg8[%parallel_loop3A_483, %parallel_loop3A_484, %parallel_loop3A_485] {strides = array<i32>} : memref<2x128x128xf32, #tpu.memory_space<vmem>>, vector<16xf32>,
      %parallel_loop3A_487 = arith.constant 0 : i32
      %parallel_loop3A_488 = arith.index_cast %parallel_loop3A_487 : i32 to index
      %parallel_loop3A_489 = arith.index_cast %parallel_loop3A_365 : i32 to index
      %parallel_loop3A_490 = arith.constant 96 : index
      %parallel_loop3A_491 = tpu.vector_load %arg10[%parallel_loop3A_488, %parallel_loop3A_489, %parallel_loop3A_490] {strides = array<i32>} : memref<2x128x128xf32, #tpu.memory_space<vmem>>, vector<16xf32>,
      %parallel_loop3A_492 = arith.mulf %parallel_loop3A_486, %parallel_loop3A_491 : vector<16xf32>
      %parallel_loop3A_493 = arith.constant 0 : i32
      %parallel_loop3A_494 = arith.index_cast %parallel_loop3A_493 : i32 to index
      %parallel_loop3A_495 = arith.index_cast %parallel_loop3A_365 : i32 to index
      %parallel_loop3A_496 = arith.constant 96 : index
      %parallel_loop3A_497 = tpu.vector_load %arg9[%parallel_loop3A_494, %parallel_loop3A_495, %parallel_loop3A_496] {strides = array<i32>} : memref<2x128x128xf32, #tpu.memory_space<vmem>>, vector<16xf32>,
      %parallel_loop3A_498 = arith.mulf %parallel_loop3A_492, %parallel_loop3A_497 : vector<16xf32>
      %parallel_loop3A_499 = arith.addf %parallel_loop3A_427, %parallel_loop3A_498 : vector<16xf32>
      %parallel_loop3A_500 = arith.constant 0 : i32
      %parallel_loop3A_501 = arith.index_cast %parallel_loop3A_500 : i32 to index
      %parallel_loop3A_502 = arith.index_cast %parallel_loop3A_365 : i32 to index
      %parallel_loop3A_503 = arith.constant 112 : index
      %parallel_loop3A_504 = tpu.vector_load %arg8[%parallel_loop3A_501, %parallel_loop3A_502, %parallel_loop3A_503] {strides = array<i32>} : memref<2x128x128xf32, #tpu.memory_space<vmem>>, vector<16xf32>,
      %parallel_loop3A_505 = arith.constant 0 : i32
      %parallel_loop3A_506 = arith.index_cast %parallel_loop3A_505 : i32 to index
      %parallel_loop3A_507 = arith.index_cast %parallel_loop3A_365 : i32 to index
      %parallel_loop3A_508 = arith.constant 112 : index
      %parallel_loop3A_509 = tpu.vector_load %arg10[%parallel_loop3A_506, %parallel_loop3A_507, %parallel_loop3A_508] {strides = array<i32>} : memref<2x128x128xf32, #tpu.memory_space<vmem>>, vector<16xf32>,
      %parallel_loop3A_510 = arith.mulf %parallel_loop3A_504, %parallel_loop3A_509 : vector<16xf32>
      %parallel_loop3A_511 = arith.constant 0 : i32
      %parallel_loop3A_512 = arith.index_cast %parallel_loop3A_511 : i32 to index
      %parallel_loop3A_513 = arith.index_cast %parallel_loop3A_365 : i32 to index
      %parallel_loop3A_514 = arith.constant 112 : index
      %parallel_loop3A_515 = tpu.vector_load %arg9[%parallel_loop3A_512, %parallel_loop3A_513, %parallel_loop3A_514] {strides = array<i32>} : memref<2x128x128xf32, #tpu.memory_space<vmem>>, vector<16xf32>,
      %parallel_loop3A_516 = arith.mulf %parallel_loop3A_510, %parallel_loop3A_515 : vector<16xf32>
      %parallel_loop3A_517 = arith.addf %parallel_loop3A_445, %parallel_loop3A_516 : vector<16xf32>
      %parallel_loop3A_518 = arith.addf %parallel_loop3A_463, %parallel_loop3A_481 : vector<16xf32>
      %parallel_loop3A_519 = arith.addf %parallel_loop3A_499, %parallel_loop3A_517 : vector<16xf32>
      %parallel_loop3A_520 = arith.addf %parallel_loop3A_518, %parallel_loop3A_519 : vector<16xf32>
      %parallel_loop3A_521 = arith.constant true
      %parallel_loop3A_522 = vector.broadcast %parallel_loop3A_521 : i1 to vector<16xi1>
      %parallel_loop3A_523 = tpu.scan <sum>, %parallel_loop3A_520 masked %parallel_loop3A_522 : vector<16xf32>, vector<16xi1> -> vector<16xf32>
      %parallel_loop3A_524 = arith.constant 0 : i32
      %parallel_loop3A_525 = arith.index_cast %parallel_loop3A_524 : i32 to index
      %parallel_loop3A_526 = arith.index_cast %parallel_loop3A_365 : i32 to index
      %parallel_loop3A_527 = tpu.vector_load %arg11[%parallel_loop3A_525, %parallel_loop3A_526] masked %eq3A_4 {strides = array<i32>} : memref<2x144xf32, #tpu.memory_space<vmem>>, vector<16xf32>, vector<16xi1>
      tpu.vector_store %arg11[%parallel_loop3A_525, %parallel_loop3A_526], %parallel_loop3A_523 masked %eq3A_4 {strides = array<i32>} : memref<2x144xf32, #tpu.memory_space<vmem>>, vector<16xf32>, vector<16xi1>
    } {sc.loop_unroll_factor = 4 : i64, sc.parallel_access}
    %add3A_183 = arith.constant 0 : i32
    %add3A_184 = arith.addi %mul3A_2, %add3A_183 : i32
    %dma_start3A_185 = arith.constant 0 : i32
    %dma_start3A_186 = arith.constant 0 : i32
    %dma_start3A_187 = tpu.memref_slice %arg11[%dma_start3A_185, %dma_start3A_186] : memref<2x144xf32, #tpu.memory_space<vmem>> -> memref<1x128xf32, #tpu.memory_space<vmem>>
    %dma_start3A_188 = tpu.memref_squeeze %dma_start3A_187 : memref<1x128xf32, #tpu.memory_space<vmem>> -> memref<128xf32, #tpu.memory_space<vmem>>
    %dma_start3A_189 = tpu.memref_slice %arg6[%add3A_184] : memref<12288xf32, #tpu.memory_space<hbm>> -> memref<128xf32, #tpu.memory_space<hbm>>
    %dma_start3A_190 = tpu.memref_slice %arg6[%add3A_184] : memref<12288xf32, #tpu.memory_space<hbm>> -> memref<128xf32, #tpu.memory_space<hbm>>
    %dma_start3A_191 = arith.constant 0 : i32
    %dma_start3A_192 = tpu.memref_slice %arg11[%dma_start3A_185, %dma_start3A_191] : memref<2x144xf32, #tpu.memory_space<vmem>> -> memref<1x128xf32, #tpu.memory_space<vmem>>
    %dma_start3A_193 = tpu.memref_squeeze %dma_start3A_192 : memref<1x128xf32, #tpu.memory_space<vmem>> -> memref<128xf32, #tpu.memory_space<vmem>>
    tpu.enqueue_dma source(%dma_start3A_193 : memref<128xf32, #tpu.memory_space<vmem>>) target(%dma_start3A_190 : memref<128xf32, #tpu.memory_space<hbm>>) target_semaphore(%arg15 : memref<!tpu.dma_semaphore, #tpu.memory_space<semaphore_mem>>)
    %add3A_194 = arith.constant 256 : i32
    %add3A_195 = arith.addi %mul3A_2, %add3A_194 : i32
    %dma_start3A_196 = arith.constant 2 : i32
    %dma_start3A_197 = arith.constant 0 : i32
    %dma_start3A_198 = arith.constant 0 : i32
    %dma_start3A_199 = arith.constant 0 : i32
    %dma_start3A_200 = tpu.memref_slice %arg10[%dma_start3A_197, %dma_start3A_198, %dma_start3A_199] : memref<2x128x128xf32, #tpu.memory_space<vmem>> -> memref<1x128x128xf32, #tpu.memory_space<vmem>>
    %dma_start3A_201 = tpu.memref_squeeze %dma_start3A_200 : memref<1x128x128xf32, #tpu.memory_space<vmem>> -> memref<128x128xf32, #tpu.memory_space<vmem>>
    %dma_start3A_202 = arith.constant 0 : i32
    %dma_start3A_203 = tpu.memref_slice %arg7[%dma_start3A_196, %dma_start3A_202] : memref<3x128xi32, #tpu.memory_space<vmem>> -> memref<1x128xi32, #tpu.memory_space<vmem>>
    %dma_start3A_204 = tpu.memref_squeeze %dma_start3A_203 : memref<1x128xi32, #tpu.memory_space<vmem>> -> memref<128xi32, #tpu.memory_space<vmem>>
    %dma_start3A_205 = arith.constant 0 : i32
    %dma_start3A_206 = arith.constant 0 : i32
    %dma_start3A_207 = tpu.memref_slice %arg5[%dma_start3A_205, %dma_start3A_206] : memref<1000x128xf32, #tpu.memory_space<hbm>> -> memref<1000x128xf32, #tpu.memory_space<hbm>>
    tpu.enqueue_indirect_dma source(%dma_start3A_207 : memref<1000x128xf32, #tpu.memory_space<hbm>>) target(%dma_start3A_201 : memref<128x128xf32, #tpu.memory_space<vmem>>) offsets(%dma_start3A_204 : memref<128xi32, #tpu.memory_space<vmem>>) semaphore(%arg13 : memref<!tpu.dma_semaphore, #tpu.memory_space<semaphore_mem>>)
    %dma_start3A_208 = arith.constant 0 : i32
    %dma_start3A_209 = arith.constant 0 : i32
    %dma_start3A_210 = arith.constant 0 : i32
    %dma_start3A_211 = tpu.memref_slice %arg8[%dma_start3A_208, %dma_start3A_209, %dma_start3A_210] : memref<2x128x128xf32, #tpu.memory_space<vmem>> -> memref<1x128x128xf32, #tpu.memory_space<vmem>>
    %dma_start3A_212 = tpu.memref_squeeze %dma_start3A_211 : memref<1x128x128xf32, #tpu.memory_space<vmem>> -> memref<128x128xf32, #tpu.memory_space<vmem>>
    %dma_start3A_213 = arith.constant 0 : i32
    %dma_start3A_214 = tpu.memref_slice %arg2[%add3A_195, %dma_start3A_213] : memref<16384x128xf32, #tpu.memory_space<hbm>> -> memref<128x128xf32, #tpu.memory_space<hbm>>
    %dma_start3A_215 = arith.constant 0 : i32
    %dma_start3A_216 = arith.constant 0 : i32
    %dma_start3A_217 = tpu.memref_slice %arg8[%dma_start3A_208, %dma_start3A_215, %dma_start3A_216] : memref<2x128x128xf32, #tpu.memory_space<vmem>> -> memref<1x128x128xf32, #tpu.memory_space<vmem>>
    %dma_start3A_218 = tpu.memref_squeeze %dma_start3A_217 : memref<1x128x128xf32, #tpu.memory_space<vmem>> -> memref<128x128xf32, #tpu.memory_space<vmem>>
    %dma_start3A_219 = arith.constant 0 : i32
    %dma_start3A_220 = tpu.memref_slice %arg2[%add3A_195, %dma_start3A_219] : memref<16384x128xf32, #tpu.memory_space<hbm>> -> memref<128x128xf32, #tpu.memory_space<hbm>>
    tpu.enqueue_dma source(%dma_start3A_220 : memref<128x128xf32, #tpu.memory_space<hbm>>) target(%dma_start3A_218 : memref<128x128xf32, #tpu.memory_space<vmem>>) target_semaphore(%arg13 : memref<!tpu.dma_semaphore, #tpu.memory_space<semaphore_mem>>)
    %dma_start3A_221 = arith.constant 0 : i32
    %dma_start3A_222 = arith.constant 0 : i32
    %dma_start3A_223 = arith.constant 0 : i32
    %dma_start3A_224 = tpu.memref_slice %arg9[%dma_start3A_221, %dma_start3A_222, %dma_start3A_223] : memref<2x128x128xf32, #tpu.memory_space<vmem>> -> memref<1x128x128xf32, #tpu.memory_space<vmem>>
    %dma_start3A_225 = tpu.memref_squeeze %dma_start3A_224 : memref<1x128x128xf32, #tpu.memory_space<vmem>> -> memref<128x128xf32, #tpu.memory_space<vmem>>
    %dma_start3A_226 = arith.constant 0 : i32
    %dma_start3A_227 = tpu.memref_slice %arg3[%add3A_195, %dma_start3A_226] : memref<16384x128xf32, #tpu.memory_space<hbm>> -> memref<128x128xf32, #tpu.memory_space<hbm>>
    %dma_start3A_228 = arith.constant 0 : i32
    %dma_start3A_229 = arith.constant 0 : i32
    %dma_start3A_230 = tpu.memref_slice %arg9[%dma_start3A_221, %dma_start3A_228, %dma_start3A_229] : memref<2x128x128xf32, #tpu.memory_space<vmem>> -> memref<1x128x128xf32, #tpu.memory_space<vmem>>
    %dma_start3A_231 = tpu.memref_squeeze %dma_start3A_230 : memref<1x128x128xf32, #tpu.memory_space<vmem>> -> memref<128x128xf32, #tpu.memory_space<vmem>>
    %dma_start3A_232 = arith.constant 0 : i32
    %dma_start3A_233 = tpu.memref_slice %arg3[%add3A_195, %dma_start3A_232] : memref<16384x128xf32, #tpu.memory_space<hbm>> -> memref<128x128xf32, #tpu.memory_space<hbm>>
    tpu.enqueue_dma source(%dma_start3A_233 : memref<128x128xf32, #tpu.memory_space<hbm>>) target(%dma_start3A_231 : memref<128x128xf32, #tpu.memory_space<vmem>>) target_semaphore(%arg13 : memref<!tpu.dma_semaphore, #tpu.memory_space<semaphore_mem>>)
    %dma_wait3A_234 = arith.constant 1 : i32
    %dma_wait3A_235 = arith.constant 1 : i32
    %dma_wait3A_236 = arith.constant 0 : i32
    %dma_wait3A_237 = arith.constant 0 : i32
    %dma_wait3A_238 = tpu.memref_slice %arg10[%dma_wait3A_235, %dma_wait3A_236, %dma_wait3A_237] : memref<2x128x128xf32, #tpu.memory_space<vmem>> -> memref<1x128x128xf32, #tpu.memory_space<vmem>>
    %dma_wait3A_239 = tpu.memref_squeeze %dma_wait3A_238 : memref<1x128x128xf32, #tpu.memory_space<vmem>> -> memref<128x128xf32, #tpu.memory_space<vmem>>
    %dma_wait3A_240 = arith.constant 0 : i32
    %dma_wait3A_241 = tpu.memref_slice %arg7[%dma_wait3A_234, %dma_wait3A_240] : memref<3x128xi32, #tpu.memory_space<vmem>> -> memref<1x128xi32, #tpu.memory_space<vmem>>
    %dma_wait3A_242 = tpu.memref_squeeze %dma_wait3A_241 : memref<1x128xi32, #tpu.memory_space<vmem>> -> memref<128xi32, #tpu.memory_space<vmem>>
    %dma_wait3A_243 = arith.constant 0 : i32
    %dma_wait3A_244 = arith.constant 0 : i32
    %dma_wait3A_245 = tpu.memref_slice %arg5[%dma_wait3A_243, %dma_wait3A_244] : memref<1000x128xf32, #tpu.memory_space<hbm>> -> memref<1000x128xf32, #tpu.memory_space<hbm>>
    tpu.wait_indirect_dma semaphore(%arg14 : memref<!tpu.dma_semaphore, #tpu.memory_space<semaphore_mem>>) src(%dma_wait3A_245 : memref<1000x128xf32, #tpu.memory_space<hbm>>) dst(%dma_wait3A_239 : memref<128x128xf32, #tpu.memory_space<vmem>>)
    %dma_wait3A_246 = arith.constant 1 : i32
    %dma_wait3A_247 = arith.constant 0 : i32
    %dma_wait3A_248 = arith.constant 0 : i32
    %dma_wait3A_249 = tpu.memref_slice %arg8[%dma_wait3A_246, %dma_wait3A_247, %dma_wait3A_248] : memref<2x128x128xf32, #tpu.memory_space<vmem>> -> memref<1x128x128xf32, #tpu.memory_space<vmem>>
    %dma_wait3A_250 = tpu.memref_squeeze %dma_wait3A_249 : memref<1x128x128xf32, #tpu.memory_space<vmem>> -> memref<128x128xf32, #tpu.memory_space<vmem>>
    %dma_wait3A_251 = arith.constant 0 : i32
    %dma_wait3A_252 = tpu.memref_slice %arg2[%add3A_104, %dma_wait3A_251] : memref<16384x128xf32, #tpu.memory_space<hbm>> -> memref<128x128xf32, #tpu.memory_space<hbm>>
    %dma_wait3A_253 = arith.constant 0 : i32
    %dma_wait3A_254 = arith.constant 0 : i32
    %dma_wait3A_255 = tpu.memref_slice %arg8[%dma_wait3A_246, %dma_wait3A_253, %dma_wait3A_254] : memref<2x128x128xf32, #tpu.memory_space<vmem>> -> memref<1x128x128xf32, #tpu.memory_space<vmem>>
    %dma_wait3A_256 = tpu.memref_squeeze %dma_wait3A_255 : memref<1x128x128xf32, #tpu.memory_space<vmem>> -> memref<128x128xf32, #tpu.memory_space<vmem>>
    %dma_wait3A_257 = arith.constant 0 : i32
    %dma_wait3A_258 = tpu.memref_slice %arg2[%add3A_104, %dma_wait3A_257] : memref<16384x128xf32, #tpu.memory_space<hbm>> -> memref<128x128xf32, #tpu.memory_space<hbm>>
    tpu.wait_dma2 semaphore(%arg14 : memref<!tpu.dma_semaphore, #tpu.memory_space<semaphore_mem>>) src(%dma_wait3A_258 : memref<128x128xf32, #tpu.memory_space<hbm>>) dst(%dma_wait3A_256 : memref<128x128xf32, #tpu.memory_space<vmem>>)
    %dma_wait3A_259 = arith.constant 1 : i32
    %dma_wait3A_260 = arith.constant 0 : i32
    %dma_wait3A_261 = arith.constant 0 : i32
    %dma_wait3A_262 = tpu.memref_slice %arg9[%dma_wait3A_259, %dma_wait3A_260, %dma_wait3A_261] : memref<2x128x128xf32, #tpu.memory_space<vmem>> -> memref<1x128x128xf32, #tpu.memory_space<vmem>>
    %dma_wait3A_263 = tpu.memref_squeeze %dma_wait3A_262 : memref<1x128x128xf32, #tpu.memory_space<vmem>> -> memref<128x128xf32, #tpu.memory_space<vmem>>
    %dma_wait3A_264 = arith.constant 0 : i32
    %dma_wait3A_265 = tpu.memref_slice %arg3[%add3A_104, %dma_wait3A_264] : memref<16384x128xf32, #tpu.memory_space<hbm>> -> memref<128x128xf32, #tpu.memory_space<hbm>>
    %dma_wait3A_266 = arith.constant 0 : i32
    %dma_wait3A_267 = arith.constant 0 : i32
    %dma_wait3A_268 = tpu.memref_slice %arg9[%dma_wait3A_259, %dma_wait3A_266, %dma_wait3A_267] : memref<2x128x128xf32, #tpu.memory_space<vmem>> -> memref<1x128x128xf32, #tpu.memory_space<vmem>>
    %dma_wait3A_269 = tpu.memref_squeeze %dma_wait3A_268 : memref<1x128x128xf32, #tpu.memory_space<vmem>> -> memref<128x128xf32, #tpu.memory_space<vmem>>
    %dma_wait3A_270 = arith.constant 0 : i32
    %dma_wait3A_271 = tpu.memref_slice %arg3[%add3A_104, %dma_wait3A_270] : memref<16384x128xf32, #tpu.memory_space<hbm>> -> memref<128x128xf32, #tpu.memory_space<hbm>>
    tpu.wait_dma2 semaphore(%arg14 : memref<!tpu.dma_semaphore, #tpu.memory_space<semaphore_mem>>) src(%dma_wait3A_271 : memref<128x128xf32, #tpu.memory_space<hbm>>) dst(%dma_wait3A_269 : memref<128x128xf32, #tpu.memory_space<vmem>>)
    %parallel_loop3A_272 = arith.constant 0 : i32
    %parallel_loop3A_273 = arith.constant 128 : i32
    %parallel_loop3A_274 = arith.constant 1 : i32
    scf.for %parallel_loop3A_365 = %parallel_loop3A_272 to %parallel_loop3A_273 step %parallel_loop3A_274  : i32 {
      %parallel_loop3A_366 = arith.constant 0.000000e+00 : f32
      %parallel_loop3A_367 = vector.broadcast %parallel_loop3A_366 : f32 to vector<16xf32>
      %parallel_loop3A_368 = arith.constant 0.000000e+00 : f32
      %parallel_loop3A_369 = vector.broadcast %parallel_loop3A_368 : f32 to vector<16xf32>
      %parallel_loop3A_370 = arith.constant 0.000000e+00 : f32
      %parallel_loop3A_371 = vector.broadcast %parallel_loop3A_370 : f32 to vector<16xf32>
      %parallel_loop3A_372 = arith.constant 0.000000e+00 : f32
      %parallel_loop3A_373 = vector.broadcast %parallel_loop3A_372 : f32 to vector<16xf32>
      %parallel_loop3A_374 = arith.constant 1 : i32
      %parallel_loop3A_375 = arith.index_cast %parallel_loop3A_374 : i32 to index
      %parallel_loop3A_376 = arith.index_cast %parallel_loop3A_365 : i32 to index
      %parallel_loop3A_377 = arith.constant 0 : index
      %parallel_loop3A_378 = tpu.vector_load %arg8[%parallel_loop3A_375, %parallel_loop3A_376, %parallel_loop3A_377] {strides = array<i32>} : memref<2x128x128xf32, #tpu.memory_space<vmem>>, vector<16xf32>,
      %parallel_loop3A_379 = arith.constant 1 : i32
      %parallel_loop3A_380 = arith.index_cast %parallel_loop3A_379 : i32 to index
      %parallel_loop3A_381 = arith.index_cast %parallel_loop3A_365 : i32 to index
      %parallel_loop3A_382 = arith.constant 0 : index
      %parallel_loop3A_383 = tpu.vector_load %arg10[%parallel_loop3A_380, %parallel_loop3A_381, %parallel_loop3A_382] {strides = array<i32>} : memref<2x128x128xf32, #tpu.memory_space<vmem>>, vector<16xf32>,
      %parallel_loop3A_384 = arith.mulf %parallel_loop3A_378, %parallel_loop3A_383 : vector<16xf32>
      %parallel_loop3A_385 = arith.constant 1 : i32
      %parallel_loop3A_386 = arith.index_cast %parallel_loop3A_385 : i32 to index
      %parallel_loop3A_387 = arith.index_cast %parallel_loop3A_365 : i32 to index
      %parallel_loop3A_388 = arith.constant 0 : index
      %parallel_loop3A_389 = tpu.vector_load %arg9[%parallel_loop3A_386, %parallel_loop3A_387, %parallel_loop3A_388] {strides = array<i32>} : memref<2x128x128xf32, #tpu.memory_space<vmem>>, vector<16xf32>,
      %parallel_loop3A_390 = arith.mulf %parallel_loop3A_384, %parallel_loop3A_389 : vector<16xf32>
      %parallel_loop3A_391 = arith.addf %parallel_loop3A_367, %parallel_loop3A_390 : vector<16xf32>
      %parallel_loop3A_392 = arith.constant 1 : i32
      %parallel_loop3A_393 = arith.index_cast %parallel_loop3A_392 : i32 to index
      %parallel_loop3A_394 = arith.index_cast %parallel_loop3A_365 : i32 to index
      %parallel_loop3A_395 = arith.constant 16 : index
      %parallel_loop3A_396 = tpu.vector_load %arg8[%parallel_loop3A_393, %parallel_loop3A_394, %parallel_loop3A_395] {strides = array<i32>} : memref<2x128x128xf32, #tpu.memory_space<vmem>>, vector<16xf32>,
      %parallel_loop3A_397 = arith.constant 1 : i32
      %parallel_loop3A_398 = arith.index_cast %parallel_loop3A_397 : i32 to index
      %parallel_loop3A_399 = arith.index_cast %parallel_loop3A_365 : i32 to index
      %parallel_loop3A_400 = arith.constant 16 : index
      %parallel_loop3A_401 = tpu.vector_load %arg10[%parallel_loop3A_398, %parallel_loop3A_399, %parallel_loop3A_400] {strides = array<i32>} : memref<2x128x128xf32, #tpu.memory_space<vmem>>, vector<16xf32>,
      %parallel_loop3A_402 = arith.mulf %parallel_loop3A_396, %parallel_loop3A_401 : vector<16xf32>
      %parallel_loop3A_403 = arith.constant 1 : i32
      %parallel_loop3A_404 = arith.index_cast %parallel_loop3A_403 : i32 to index
      %parallel_loop3A_405 = arith.index_cast %parallel_loop3A_365 : i32 to index
      %parallel_loop3A_406 = arith.constant 16 : index
      %parallel_loop3A_407 = tpu.vector_load %arg9[%parallel_loop3A_404, %parallel_loop3A_405, %parallel_loop3A_406] {strides = array<i32>} : memref<2x128x128xf32, #tpu.memory_space<vmem>>, vector<16xf32>,
      %parallel_loop3A_408 = arith.mulf %parallel_loop3A_402, %parallel_loop3A_407 : vector<16xf32>
      %parallel_loop3A_409 = arith.addf %parallel_loop3A_369, %parallel_loop3A_408 : vector<16xf32>
      %parallel_loop3A_410 = arith.constant 1 : i32
      %parallel_loop3A_411 = arith.index_cast %parallel_loop3A_410 : i32 to index
      %parallel_loop3A_412 = arith.index_cast %parallel_loop3A_365 : i32 to index
      %parallel_loop3A_413 = arith.constant 32 : index
      %parallel_loop3A_414 = tpu.vector_load %arg8[%parallel_loop3A_411, %parallel_loop3A_412, %parallel_loop3A_413] {strides = array<i32>} : memref<2x128x128xf32, #tpu.memory_space<vmem>>, vector<16xf32>,
      %parallel_loop3A_415 = arith.constant 1 : i32
      %parallel_loop3A_416 = arith.index_cast %parallel_loop3A_415 : i32 to index
      %parallel_loop3A_417 = arith.index_cast %parallel_loop3A_365 : i32 to index
      %parallel_loop3A_418 = arith.constant 32 : index
      %parallel_loop3A_419 = tpu.vector_load %arg10[%parallel_loop3A_416, %parallel_loop3A_417, %parallel_loop3A_418] {strides = array<i32>} : memref<2x128x128xf32, #tpu.memory_space<vmem>>, vector<16xf32>,
      %parallel_loop3A_420 = arith.mulf %parallel_loop3A_414, %parallel_loop3A_419 : vector<16xf32>
      %parallel_loop3A_421 = arith.constant 1 : i32
      %parallel_loop3A_422 = arith.index_cast %parallel_loop3A_421 : i32 to index
      %parallel_loop3A_423 = arith.index_cast %parallel_loop3A_365 : i32 to index
      %parallel_loop3A_424 = arith.constant 32 : index
      %parallel_loop3A_425 = tpu.vector_load %arg9[%parallel_loop3A_422, %parallel_loop3A_423, %parallel_loop3A_424] {strides = array<i32>} : memref<2x128x128xf32, #tpu.memory_space<vmem>>, vector<16xf32>,
      %parallel_loop3A_426 = arith.mulf %parallel_loop3A_420, %parallel_loop3A_425 : vector<16xf32>
      %parallel_loop3A_427 = arith.addf %parallel_loop3A_371, %parallel_loop3A_426 : vector<16xf32>
      %parallel_loop3A_428 = arith.constant 1 : i32
      %parallel_loop3A_429 = arith.index_cast %parallel_loop3A_428 : i32 to index
      %parallel_loop3A_430 = arith.index_cast %parallel_loop3A_365 : i32 to index
      %parallel_loop3A_431 = arith.constant 48 : index
      %parallel_loop3A_432 = tpu.vector_load %arg8[%parallel_loop3A_429, %parallel_loop3A_430, %parallel_loop3A_431] {strides = array<i32>} : memref<2x128x128xf32, #tpu.memory_space<vmem>>, vector<16xf32>,
      %parallel_loop3A_433 = arith.constant 1 : i32
      %parallel_loop3A_434 = arith.index_cast %parallel_loop3A_433 : i32 to index
      %parallel_loop3A_435 = arith.index_cast %parallel_loop3A_365 : i32 to index
      %parallel_loop3A_436 = arith.constant 48 : index
      %parallel_loop3A_437 = tpu.vector_load %arg10[%parallel_loop3A_434, %parallel_loop3A_435, %parallel_loop3A_436] {strides = array<i32>} : memref<2x128x128xf32, #tpu.memory_space<vmem>>, vector<16xf32>,
      %parallel_loop3A_438 = arith.mulf %parallel_loop3A_432, %parallel_loop3A_437 : vector<16xf32>
      %parallel_loop3A_439 = arith.constant 1 : i32
      %parallel_loop3A_440 = arith.index_cast %parallel_loop3A_439 : i32 to index
      %parallel_loop3A_441 = arith.index_cast %parallel_loop3A_365 : i32 to index
      %parallel_loop3A_442 = arith.constant 48 : index
      %parallel_loop3A_443 = tpu.vector_load %arg9[%parallel_loop3A_440, %parallel_loop3A_441, %parallel_loop3A_442] {strides = array<i32>} : memref<2x128x128xf32, #tpu.memory_space<vmem>>, vector<16xf32>,
      %parallel_loop3A_444 = arith.mulf %parallel_loop3A_438, %parallel_loop3A_443 : vector<16xf32>
      %parallel_loop3A_445 = arith.addf %parallel_loop3A_373, %parallel_loop3A_444 : vector<16xf32>
      %parallel_loop3A_446 = arith.constant 1 : i32
      %parallel_loop3A_447 = arith.index_cast %parallel_loop3A_446 : i32 to index
      %parallel_loop3A_448 = arith.index_cast %parallel_loop3A_365 : i32 to index
      %parallel_loop3A_449 = arith.constant 64 : index
      %parallel_loop3A_450 = tpu.vector_load %arg8[%parallel_loop3A_447, %parallel_loop3A_448, %parallel_loop3A_449] {strides = array<i32>} : memref<2x128x128xf32, #tpu.memory_space<vmem>>, vector<16xf32>,
      %parallel_loop3A_451 = arith.constant 1 : i32
      %parallel_loop3A_452 = arith.index_cast %parallel_loop3A_451 : i32 to index
      %parallel_loop3A_453 = arith.index_cast %parallel_loop3A_365 : i32 to index
      %parallel_loop3A_454 = arith.constant 64 : index
      %parallel_loop3A_455 = tpu.vector_load %arg10[%parallel_loop3A_452, %parallel_loop3A_453, %parallel_loop3A_454] {strides = array<i32>} : memref<2x128x128xf32, #tpu.memory_space<vmem>>, vector<16xf32>,
      %parallel_loop3A_456 = arith.mulf %parallel_loop3A_450, %parallel_loop3A_455 : vector<16xf32>
      %parallel_loop3A_457 = arith.constant 1 : i32
      %parallel_loop3A_458 = arith.index_cast %parallel_loop3A_457 : i32 to index
      %parallel_loop3A_459 = arith.index_cast %parallel_loop3A_365 : i32 to index
      %parallel_loop3A_460 = arith.constant 64 : index
      %parallel_loop3A_461 = tpu.vector_load %arg9[%parallel_loop3A_458, %parallel_loop3A_459, %parallel_loop3A_460] {strides = array<i32>} : memref<2x128x128xf32, #tpu.memory_space<vmem>>, vector<16xf32>,
      %parallel_loop3A_462 = arith.mulf %parallel_loop3A_456, %parallel_loop3A_461 : vector<16xf32>
      %parallel_loop3A_463 = arith.addf %parallel_loop3A_391, %parallel_loop3A_462 : vector<16xf32>
      %parallel_loop3A_464 = arith.constant 1 : i32
      %parallel_loop3A_465 = arith.index_cast %parallel_loop3A_464 : i32 to index
      %parallel_loop3A_466 = arith.index_cast %parallel_loop3A_365 : i32 to index
      %parallel_loop3A_467 = arith.constant 80 : index
      %parallel_loop3A_468 = tpu.vector_load %arg8[%parallel_loop3A_465, %parallel_loop3A_466, %parallel_loop3A_467] {strides = array<i32>} : memref<2x128x128xf32, #tpu.memory_space<vmem>>, vector<16xf32>,
      %parallel_loop3A_469 = arith.constant 1 : i32
      %parallel_loop3A_470 = arith.index_cast %parallel_loop3A_469 : i32 to index
      %parallel_loop3A_471 = arith.index_cast %parallel_loop3A_365 : i32 to index
      %parallel_loop3A_472 = arith.constant 80 : index
      %parallel_loop3A_473 = tpu.vector_load %arg10[%parallel_loop3A_470, %parallel_loop3A_471, %parallel_loop3A_472] {strides = array<i32>} : memref<2x128x128xf32, #tpu.memory_space<vmem>>, vector<16xf32>,
      %parallel_loop3A_474 = arith.mulf %parallel_loop3A_468, %parallel_loop3A_473 : vector<16xf32>
      %parallel_loop3A_475 = arith.constant 1 : i32
      %parallel_loop3A_476 = arith.index_cast %parallel_loop3A_475 : i32 to index
      %parallel_loop3A_477 = arith.index_cast %parallel_loop3A_365 : i32 to index
      %parallel_loop3A_478 = arith.constant 80 : index
      %parallel_loop3A_479 = tpu.vector_load %arg9[%parallel_loop3A_476, %parallel_loop3A_477, %parallel_loop3A_478] {strides = array<i32>} : memref<2x128x128xf32, #tpu.memory_space<vmem>>, vector<16xf32>,
      %parallel_loop3A_480 = arith.mulf %parallel_loop3A_474, %parallel_loop3A_479 : vector<16xf32>
      %parallel_loop3A_481 = arith.addf %parallel_loop3A_409, %parallel_loop3A_480 : vector<16xf32>
      %parallel_loop3A_482 = arith.constant 1 : i32
      %parallel_loop3A_483 = arith.index_cast %parallel_loop3A_482 : i32 to index
      %parallel_loop3A_484 = arith.index_cast %parallel_loop3A_365 : i32 to index
      %parallel_loop3A_485 = arith.constant 96 : index
      %parallel_loop3A_486 = tpu.vector_load %arg8[%parallel_loop3A_483, %parallel_loop3A_484, %parallel_loop3A_485] {strides = array<i32>} : memref<2x128x128xf32, #tpu.memory_space<vmem>>, vector<16xf32>,
      %parallel_loop3A_487 = arith.constant 1 : i32
      %parallel_loop3A_488 = arith.index_cast %parallel_loop3A_487 : i32 to index
      %parallel_loop3A_489 = arith.index_cast %parallel_loop3A_365 : i32 to index
      %parallel_loop3A_490 = arith.constant 96 : index
      %parallel_loop3A_491 = tpu.vector_load %arg10[%parallel_loop3A_488, %parallel_loop3A_489, %parallel_loop3A_490] {strides = array<i32>} : memref<2x128x128xf32, #tpu.memory_space<vmem>>, vector<16xf32>,
      %parallel_loop3A_492 = arith.mulf %parallel_loop3A_486, %parallel_loop3A_491 : vector<16xf32>
      %parallel_loop3A_493 = arith.constant 1 : i32
      %parallel_loop3A_494 = arith.index_cast %parallel_loop3A_493 : i32 to index
      %parallel_loop3A_495 = arith.index_cast %parallel_loop3A_365 : i32 to index
      %parallel_loop3A_496 = arith.constant 96 : index
      %parallel_loop3A_497 = tpu.vector_load %arg9[%parallel_loop3A_494, %parallel_loop3A_495, %parallel_loop3A_496] {strides = array<i32>} : memref<2x128x128xf32, #tpu.memory_space<vmem>>, vector<16xf32>,
      %parallel_loop3A_498 = arith.mulf %parallel_loop3A_492, %parallel_loop3A_497 : vector<16xf32>
      %parallel_loop3A_499 = arith.addf %parallel_loop3A_427, %parallel_loop3A_498 : vector<16xf32>
      %parallel_loop3A_500 = arith.constant 1 : i32
      %parallel_loop3A_501 = arith.index_cast %parallel_loop3A_500 : i32 to index
      %parallel_loop3A_502 = arith.index_cast %parallel_loop3A_365 : i32 to index
      %parallel_loop3A_503 = arith.constant 112 : index
      %parallel_loop3A_504 = tpu.vector_load %arg8[%parallel_loop3A_501, %parallel_loop3A_502, %parallel_loop3A_503] {strides = array<i32>} : memref<2x128x128xf32, #tpu.memory_space<vmem>>, vector<16xf32>,
      %parallel_loop3A_505 = arith.constant 1 : i32
      %parallel_loop3A_506 = arith.index_cast %parallel_loop3A_505 : i32 to index
      %parallel_loop3A_507 = arith.index_cast %parallel_loop3A_365 : i32 to index
      %parallel_loop3A_508 = arith.constant 112 : index
      %parallel_loop3A_509 = tpu.vector_load %arg10[%parallel_loop3A_506, %parallel_loop3A_507, %parallel_loop3A_508] {strides = array<i32>} : memref<2x128x128xf32, #tpu.memory_space<vmem>>, vector<16xf32>,
      %parallel_loop3A_510 = arith.mulf %parallel_loop3A_504, %parallel_loop3A_509 : vector<16xf32>
      %parallel_loop3A_511 = arith.constant 1 : i32
      %parallel_loop3A_512 = arith.index_cast %parallel_loop3A_511 : i32 to index
      %parallel_loop3A_513 = arith.index_cast %parallel_loop3A_365 : i32 to index
      %parallel_loop3A_514 = arith.constant 112 : index
      %parallel_loop3A_515 = tpu.vector_load %arg9[%parallel_loop3A_512, %parallel_loop3A_513, %parallel_loop3A_514] {strides = array<i32>} : memref<2x128x128xf32, #tpu.memory_space<vmem>>, vector<16xf32>,
      %parallel_loop3A_516 = arith.mulf %parallel_loop3A_510, %parallel_loop3A_515 : vector<16xf32>
      %parallel_loop3A_517 = arith.addf %parallel_loop3A_445, %parallel_loop3A_516 : vector<16xf32>
      %parallel_loop3A_518 = arith.addf %parallel_loop3A_463, %parallel_loop3A_481 : vector<16xf32>
      %parallel_loop3A_519 = arith.addf %parallel_loop3A_499, %parallel_loop3A_517 : vector<16xf32>
      %parallel_loop3A_520 = arith.addf %parallel_loop3A_518, %parallel_loop3A_519 : vector<16xf32>
      %parallel_loop3A_521 = arith.constant true
      %parallel_loop3A_522 = vector.broadcast %parallel_loop3A_521 : i1 to vector<16xi1>
      %parallel_loop3A_523 = tpu.scan <sum>, %parallel_loop3A_520 masked %parallel_loop3A_522 : vector<16xf32>, vector<16xi1> -> vector<16xf32>
      %parallel_loop3A_524 = arith.constant 1 : i32
      %parallel_loop3A_525 = arith.index_cast %parallel_loop3A_524 : i32 to index
      %parallel_loop3A_526 = arith.index_cast %parallel_loop3A_365 : i32 to index
      %parallel_loop3A_527 = tpu.vector_load %arg11[%parallel_loop3A_525, %parallel_loop3A_526] masked %eq3A_4 {strides = array<i32>} : memref<2x144xf32, #tpu.memory_space<vmem>>, vector<16xf32>, vector<16xi1>
      tpu.vector_store %arg11[%parallel_loop3A_525, %parallel_loop3A_526], %parallel_loop3A_523 masked %eq3A_4 {strides = array<i32>} : memref<2x144xf32, #tpu.memory_space<vmem>>, vector<16xf32>, vector<16xi1>
    } {sc.loop_unroll_factor = 4 : i64, sc.parallel_access}
    %add3A_275 = arith.constant 128 : i32
    %add3A_276 = arith.addi %mul3A_2, %add3A_275 : i32
    %dma_start3A_277 = arith.constant 1 : i32
    %dma_start3A_278 = arith.constant 0 : i32
    %dma_start3A_279 = tpu.memref_slice %arg11[%dma_start3A_277, %dma_start3A_278] : memref<2x144xf32, #tpu.memory_space<vmem>> -> memref<1x128xf32, #tpu.memory_space<vmem>>
    %dma_start3A_280 = tpu.memref_squeeze %dma_start3A_279 : memref<1x128xf32, #tpu.memory_space<vmem>> -> memref<128xf32, #tpu.memory_space<vmem>>
    %dma_start3A_281 = tpu.memref_slice %arg6[%add3A_276] : memref<12288xf32, #tpu.memory_space<hbm>> -> memref<128xf32, #tpu.memory_space<hbm>>
    %dma_start3A_282 = tpu.memref_slice %arg6[%add3A_276] : memref<12288xf32, #tpu.memory_space<hbm>> -> memref<128xf32, #tpu.memory_space<hbm>>
    %dma_start3A_283 = arith.constant 0 : i32
    %dma_start3A_284 = tpu.memref_slice %arg11[%dma_start3A_277, %dma_start3A_283] : memref<2x144xf32, #tpu.memory_space<vmem>> -> memref<1x128xf32, #tpu.memory_space<vmem>>
    %dma_start3A_285 = tpu.memref_squeeze %dma_start3A_284 : memref<1x128xf32, #tpu.memory_space<vmem>> -> memref<128xf32, #tpu.memory_space<vmem>>
    tpu.enqueue_dma source(%dma_start3A_285 : memref<128xf32, #tpu.memory_space<vmem>>) target(%dma_start3A_282 : memref<128xf32, #tpu.memory_space<hbm>>) target_semaphore(%arg15 : memref<!tpu.dma_semaphore, #tpu.memory_space<semaphore_mem>>)
    %dma_wait3A_286 = arith.constant 2 : i32
    %dma_wait3A_287 = arith.constant 0 : i32
    %dma_wait3A_288 = arith.constant 0 : i32
    %dma_wait3A_289 = arith.constant 0 : i32
    %dma_wait3A_290 = tpu.memref_slice %arg10[%dma_wait3A_287, %dma_wait3A_288, %dma_wait3A_289] : memref<2x128x128xf32, #tpu.memory_space<vmem>> -> memref<1x128x128xf32, #tpu.memory_space<vmem>>
    %dma_wait3A_291 = tpu.memref_squeeze %dma_wait3A_290 : memref<1x128x128xf32, #tpu.memory_space<vmem>> -> memref<128x128xf32, #tpu.memory_space<vmem>>
    %dma_wait3A_292 = arith.constant 0 : i32
    %dma_wait3A_293 = tpu.memref_slice %arg7[%dma_wait3A_286, %dma_wait3A_292] : memref<3x128xi32, #tpu.memory_space<vmem>> -> memref<1x128xi32, #tpu.memory_space<vmem>>
    %dma_wait3A_294 = tpu.memref_squeeze %dma_wait3A_293 : memref<1x128xi32, #tpu.memory_space<vmem>> -> memref<128xi32, #tpu.memory_space<vmem>>
    %dma_wait3A_295 = arith.constant 0 : i32
    %dma_wait3A_296 = arith.constant 0 : i32
    %dma_wait3A_297 = tpu.memref_slice %arg5[%dma_wait3A_295, %dma_wait3A_296] : memref<1000x128xf32, #tpu.memory_space<hbm>> -> memref<1000x128xf32, #tpu.memory_space<hbm>>
    tpu.wait_indirect_dma semaphore(%arg13 : memref<!tpu.dma_semaphore, #tpu.memory_space<semaphore_mem>>) src(%dma_wait3A_297 : memref<1000x128xf32, #tpu.memory_space<hbm>>) dst(%dma_wait3A_291 : memref<128x128xf32, #tpu.memory_space<vmem>>)
    %dma_wait3A_298 = arith.constant 0 : i32
    %dma_wait3A_299 = arith.constant 0 : i32
    %dma_wait3A_300 = arith.constant 0 : i32
    %dma_wait3A_301 = tpu.memref_slice %arg8[%dma_wait3A_298, %dma_wait3A_299, %dma_wait3A_300] : memref<2x128x128xf32, #tpu.memory_space<vmem>> -> memref<1x128x128xf32, #tpu.memory_space<vmem>>
    %dma_wait3A_302 = tpu.memref_squeeze %dma_wait3A_301 : memref<1x128x128xf32, #tpu.memory_space<vmem>> -> memref<128x128xf32, #tpu.memory_space<vmem>>
    %dma_wait3A_303 = arith.constant 0 : i32
    %dma_wait3A_304 = tpu.memref_slice %arg2[%add3A_195, %dma_wait3A_303] : memref<16384x128xf32, #tpu.memory_space<hbm>> -> memref<128x128xf32, #tpu.memory_space<hbm>>
    %dma_wait3A_305 = arith.constant 0 : i32
    %dma_wait3A_306 = arith.constant 0 : i32
    %dma_wait3A_307 = tpu.memref_slice %arg8[%dma_wait3A_298, %dma_wait3A_305, %dma_wait3A_306] : memref<2x128x128xf32, #tpu.memory_space<vmem>> -> memref<1x128x128xf32, #tpu.memory_space<vmem>>
    %dma_wait3A_308 = tpu.memref_squeeze %dma_wait3A_307 : memref<1x128x128xf32, #tpu.memory_space<vmem>> -> memref<128x128xf32, #tpu.memory_space<vmem>>
    %dma_wait3A_309 = arith.constant 0 : i32
    %dma_wait3A_310 = tpu.memref_slice %arg2[%add3A_195, %dma_wait3A_309] : memref<16384x128xf32, #tpu.memory_space<hbm>> -> memref<128x128xf32, #tpu.memory_space<hbm>>
    tpu.wait_dma2 semaphore(%arg13 : memref<!tpu.dma_semaphore, #tpu.memory_space<semaphore_mem>>) src(%dma_wait3A_310 : memref<128x128xf32, #tpu.memory_space<hbm>>) dst(%dma_wait3A_308 : memref<128x128xf32, #tpu.memory_space<vmem>>)
    %dma_wait3A_311 = arith.constant 0 : i32
    %dma_wait3A_312 = arith.constant 0 : i32
    %dma_wait3A_313 = arith.constant 0 : i32
    %dma_wait3A_314 = tpu.memref_slice %arg9[%dma_wait3A_311, %dma_wait3A_312, %dma_wait3A_313] : memref<2x128x128xf32, #tpu.memory_space<vmem>> -> memref<1x128x128xf32, #tpu.memory_space<vmem>>
    %dma_wait3A_315 = tpu.memref_squeeze %dma_wait3A_314 : memref<1x128x128xf32, #tpu.memory_space<vmem>> -> memref<128x128xf32, #tpu.memory_space<vmem>>
    %dma_wait3A_316 = arith.constant 0 : i32
    %dma_wait3A_317 = tpu.memref_slice %arg3[%add3A_195, %dma_wait3A_316] : memref<16384x128xf32, #tpu.memory_space<hbm>> -> memref<128x128xf32, #tpu.memory_space<hbm>>
    %dma_wait3A_318 = arith.constant 0 : i32
    %dma_wait3A_319 = arith.constant 0 : i32
    %dma_wait3A_320 = tpu.memref_slice %arg9[%dma_wait3A_311, %dma_wait3A_318, %dma_wait3A_319] : memref<2x128x128xf32, #tpu.memory_space<vmem>> -> memref<1x128x128xf32, #tpu.memory_space<vmem>>
    %dma_wait3A_321 = tpu.memref_squeeze %dma_wait3A_320 : memref<1x128x128xf32, #tpu.memory_space<vmem>> -> memref<128x128xf32, #tpu.memory_space<vmem>>
    %dma_wait3A_322 = arith.constant 0 : i32
    %dma_wait3A_323 = tpu.memref_slice %arg3[%add3A_195, %dma_wait3A_322] : memref<16384x128xf32, #tpu.memory_space<hbm>> -> memref<128x128xf32, #tpu.memory_space<hbm>>
    tpu.wait_dma2 semaphore(%arg13 : memref<!tpu.dma_semaphore, #tpu.memory_space<semaphore_mem>>) src(%dma_wait3A_323 : memref<128x128xf32, #tpu.memory_space<hbm>>) dst(%dma_wait3A_321 : memref<128x128xf32, #tpu.memory_space<vmem>>)
    %dma_wait3A_324 = arith.constant 0 : i32
    %dma_wait3A_325 = arith.constant 0 : i32
    %dma_wait3A_326 = tpu.memref_slice %arg11[%dma_wait3A_324, %dma_wait3A_325] : memref<2x144xf32, #tpu.memory_space<vmem>> -> memref<1x128xf32, #tpu.memory_space<vmem>>
    %dma_wait3A_327 = tpu.memref_squeeze %dma_wait3A_326 : memref<1x128xf32, #tpu.memory_space<vmem>> -> memref<128xf32, #tpu.memory_space<vmem>>
    %dma_wait3A_328 = tpu.memref_slice %arg6[%add3A_184] : memref<12288xf32, #tpu.memory_space<hbm>> -> memref<128xf32, #tpu.memory_space<hbm>>
    %dma_wait3A_329 = tpu.memref_slice %arg6[%add3A_184] : memref<12288xf32, #tpu.memory_space<hbm>> -> memref<128xf32, #tpu.memory_space<hbm>>
    %dma_wait3A_330 = arith.constant 0 : i32
    %dma_wait3A_331 = tpu.memref_slice %arg11[%dma_wait3A_324, %dma_wait3A_330] : memref<2x144xf32, #tpu.memory_space<vmem>> -> memref<1x128xf32, #tpu.memory_space<vmem>>
    %dma_wait3A_332 = tpu.memref_squeeze %dma_wait3A_331 : memref<1x128xf32, #tpu.memory_space<vmem>> -> memref<128xf32, #tpu.memory_space<vmem>>
    tpu.wait_dma2 semaphore(%arg15 : memref<!tpu.dma_semaphore, #tpu.memory_space<semaphore_mem>>) src(%dma_wait3A_332 : memref<128xf32, #tpu.memory_space<vmem>>) dst(%dma_wait3A_329 : memref<128xf32, #tpu.memory_space<hbm>>)
    %parallel_loop3A_333 = arith.constant 0 : i32
    %parallel_loop3A_334 = arith.constant 128 : i32
    %parallel_loop3A_335 = arith.constant 1 : i32
    scf.for %parallel_loop3A_365 = %parallel_loop3A_333 to %parallel_loop3A_334 step %parallel_loop3A_335  : i32 {
      %parallel_loop3A_366 = arith.constant 0.000000e+00 : f32
      %parallel_loop3A_367 = vector.broadcast %parallel_loop3A_366 : f32 to vector<16xf32>
      %parallel_loop3A_368 = arith.constant 0.000000e+00 : f32
      %parallel_loop3A_369 = vector.broadcast %parallel_loop3A_368 : f32 to vector<16xf32>
      %parallel_loop3A_370 = arith.constant 0.000000e+00 : f32
      %parallel_loop3A_371 = vector.broadcast %parallel_loop3A_370 : f32 to vector<16xf32>
      %parallel_loop3A_372 = arith.constant 0.000000e+00 : f32
      %parallel_loop3A_373 = vector.broadcast %parallel_loop3A_372 : f32 to vector<16xf32>
      %parallel_loop3A_374 = arith.constant 0 : i32
      %parallel_loop3A_375 = arith.index_cast %parallel_loop3A_374 : i32 to index
      %parallel_loop3A_376 = arith.index_cast %parallel_loop3A_365 : i32 to index
      %parallel_loop3A_377 = arith.constant 0 : index
      %parallel_loop3A_378 = tpu.vector_load %arg8[%parallel_loop3A_375, %parallel_loop3A_376, %parallel_loop3A_377] {strides = array<i32>} : memref<2x128x128xf32, #tpu.memory_space<vmem>>, vector<16xf32>,
      %parallel_loop3A_379 = arith.constant 0 : i32
      %parallel_loop3A_380 = arith.index_cast %parallel_loop3A_379 : i32 to index
      %parallel_loop3A_381 = arith.index_cast %parallel_loop3A_365 : i32 to index
      %parallel_loop3A_382 = arith.constant 0 : index
      %parallel_loop3A_383 = tpu.vector_load %arg10[%parallel_loop3A_380, %parallel_loop3A_381, %parallel_loop3A_382] {strides = array<i32>} : memref<2x128x128xf32, #tpu.memory_space<vmem>>, vector<16xf32>,
      %parallel_loop3A_384 = arith.mulf %parallel_loop3A_378, %parallel_loop3A_383 : vector<16xf32>
      %parallel_loop3A_385 = arith.constant 0 : i32
      %parallel_loop3A_386 = arith.index_cast %parallel_loop3A_385 : i32 to index
      %parallel_loop3A_387 = arith.index_cast %parallel_loop3A_365 : i32 to index
      %parallel_loop3A_388 = arith.constant 0 : index
      %parallel_loop3A_389 = tpu.vector_load %arg9[%parallel_loop3A_386, %parallel_loop3A_387, %parallel_loop3A_388] {strides = array<i32>} : memref<2x128x128xf32, #tpu.memory_space<vmem>>, vector<16xf32>,
      %parallel_loop3A_390 = arith.mulf %parallel_loop3A_384, %parallel_loop3A_389 : vector<16xf32>
      %parallel_loop3A_391 = arith.addf %parallel_loop3A_367, %parallel_loop3A_390 : vector<16xf32>
      %parallel_loop3A_392 = arith.constant 0 : i32
      %parallel_loop3A_393 = arith.index_cast %parallel_loop3A_392 : i32 to index
      %parallel_loop3A_394 = arith.index_cast %parallel_loop3A_365 : i32 to index
      %parallel_loop3A_395 = arith.constant 16 : index
      %parallel_loop3A_396 = tpu.vector_load %arg8[%parallel_loop3A_393, %parallel_loop3A_394, %parallel_loop3A_395] {strides = array<i32>} : memref<2x128x128xf32, #tpu.memory_space<vmem>>, vector<16xf32>,
      %parallel_loop3A_397 = arith.constant 0 : i32
      %parallel_loop3A_398 = arith.index_cast %parallel_loop3A_397 : i32 to index
      %parallel_loop3A_399 = arith.index_cast %parallel_loop3A_365 : i32 to index
      %parallel_loop3A_400 = arith.constant 16 : index
      %parallel_loop3A_401 = tpu.vector_load %arg10[%parallel_loop3A_398, %parallel_loop3A_399, %parallel_loop3A_400] {strides = array<i32>} : memref<2x128x128xf32, #tpu.memory_space<vmem>>, vector<16xf32>,
      %parallel_loop3A_402 = arith.mulf %parallel_loop3A_396, %parallel_loop3A_401 : vector<16xf32>
      %parallel_loop3A_403 = arith.constant 0 : i32
      %parallel_loop3A_404 = arith.index_cast %parallel_loop3A_403 : i32 to index
      %parallel_loop3A_405 = arith.index_cast %parallel_loop3A_365 : i32 to index
      %parallel_loop3A_406 = arith.constant 16 : index
      %parallel_loop3A_407 = tpu.vector_load %arg9[%parallel_loop3A_404, %parallel_loop3A_405, %parallel_loop3A_406] {strides = array<i32>} : memref<2x128x128xf32, #tpu.memory_space<vmem>>, vector<16xf32>,
      %parallel_loop3A_408 = arith.mulf %parallel_loop3A_402, %parallel_loop3A_407 : vector<16xf32>
      %parallel_loop3A_409 = arith.addf %parallel_loop3A_369, %parallel_loop3A_408 : vector<16xf32>
      %parallel_loop3A_410 = arith.constant 0 : i32
      %parallel_loop3A_411 = arith.index_cast %parallel_loop3A_410 : i32 to index
      %parallel_loop3A_412 = arith.index_cast %parallel_loop3A_365 : i32 to index
      %parallel_loop3A_413 = arith.constant 32 : index
      %parallel_loop3A_414 = tpu.vector_load %arg8[%parallel_loop3A_411, %parallel_loop3A_412, %parallel_loop3A_413] {strides = array<i32>} : memref<2x128x128xf32, #tpu.memory_space<vmem>>, vector<16xf32>,
      %parallel_loop3A_415 = arith.constant 0 : i32
      %parallel_loop3A_416 = arith.index_cast %parallel_loop3A_415 : i32 to index
      %parallel_loop3A_417 = arith.index_cast %parallel_loop3A_365 : i32 to index
      %parallel_loop3A_418 = arith.constant 32 : index
      %parallel_loop3A_419 = tpu.vector_load %arg10[%parallel_loop3A_416, %parallel_loop3A_417, %parallel_loop3A_418] {strides = array<i32>} : memref<2x128x128xf32, #tpu.memory_space<vmem>>, vector<16xf32>,
      %parallel_loop3A_420 = arith.mulf %parallel_loop3A_414, %parallel_loop3A_419 : vector<16xf32>
      %parallel_loop3A_421 = arith.constant 0 : i32
      %parallel_loop3A_422 = arith.index_cast %parallel_loop3A_421 : i32 to index
      %parallel_loop3A_423 = arith.index_cast %parallel_loop3A_365 : i32 to index
      %parallel_loop3A_424 = arith.constant 32 : index
      %parallel_loop3A_425 = tpu.vector_load %arg9[%parallel_loop3A_422, %parallel_loop3A_423, %parallel_loop3A_424] {strides = array<i32>} : memref<2x128x128xf32, #tpu.memory_space<vmem>>, vector<16xf32>,
      %parallel_loop3A_426 = arith.mulf %parallel_loop3A_420, %parallel_loop3A_425 : vector<16xf32>
      %parallel_loop3A_427 = arith.addf %parallel_loop3A_371, %parallel_loop3A_426 : vector<16xf32>
      %parallel_loop3A_428 = arith.constant 0 : i32
      %parallel_loop3A_429 = arith.index_cast %parallel_loop3A_428 : i32 to index
      %parallel_loop3A_430 = arith.index_cast %parallel_loop3A_365 : i32 to index
      %parallel_loop3A_431 = arith.constant 48 : index
      %parallel_loop3A_432 = tpu.vector_load %arg8[%parallel_loop3A_429, %parallel_loop3A_430, %parallel_loop3A_431] {strides = array<i32>} : memref<2x128x128xf32, #tpu.memory_space<vmem>>, vector<16xf32>,
      %parallel_loop3A_433 = arith.constant 0 : i32
      %parallel_loop3A_434 = arith.index_cast %parallel_loop3A_433 : i32 to index
      %parallel_loop3A_435 = arith.index_cast %parallel_loop3A_365 : i32 to index
      %parallel_loop3A_436 = arith.constant 48 : index
      %parallel_loop3A_437 = tpu.vector_load %arg10[%parallel_loop3A_434, %parallel_loop3A_435, %parallel_loop3A_436] {strides = array<i32>} : memref<2x128x128xf32, #tpu.memory_space<vmem>>, vector<16xf32>,
      %parallel_loop3A_438 = arith.mulf %parallel_loop3A_432, %parallel_loop3A_437 : vector<16xf32>
      %parallel_loop3A_439 = arith.constant 0 : i32
      %parallel_loop3A_440 = arith.index_cast %parallel_loop3A_439 : i32 to index
      %parallel_loop3A_441 = arith.index_cast %parallel_loop3A_365 : i32 to index
      %parallel_loop3A_442 = arith.constant 48 : index
      %parallel_loop3A_443 = tpu.vector_load %arg9[%parallel_loop3A_440, %parallel_loop3A_441, %parallel_loop3A_442] {strides = array<i32>} : memref<2x128x128xf32, #tpu.memory_space<vmem>>, vector<16xf32>,
      %parallel_loop3A_444 = arith.mulf %parallel_loop3A_438, %parallel_loop3A_443 : vector<16xf32>
      %parallel_loop3A_445 = arith.addf %parallel_loop3A_373, %parallel_loop3A_444 : vector<16xf32>
      %parallel_loop3A_446 = arith.constant 0 : i32
      %parallel_loop3A_447 = arith.index_cast %parallel_loop3A_446 : i32 to index
      %parallel_loop3A_448 = arith.index_cast %parallel_loop3A_365 : i32 to index
      %parallel_loop3A_449 = arith.constant 64 : index
      %parallel_loop3A_450 = tpu.vector_load %arg8[%parallel_loop3A_447, %parallel_loop3A_448, %parallel_loop3A_449] {strides = array<i32>} : memref<2x128x128xf32, #tpu.memory_space<vmem>>, vector<16xf32>,
      %parallel_loop3A_451 = arith.constant 0 : i32
      %parallel_loop3A_452 = arith.index_cast %parallel_loop3A_451 : i32 to index
      %parallel_loop3A_453 = arith.index_cast %parallel_loop3A_365 : i32 to index
      %parallel_loop3A_454 = arith.constant 64 : index
      %parallel_loop3A_455 = tpu.vector_load %arg10[%parallel_loop3A_452, %parallel_loop3A_453, %parallel_loop3A_454] {strides = array<i32>} : memref<2x128x128xf32, #tpu.memory_space<vmem>>, vector<16xf32>,
      %parallel_loop3A_456 = arith.mulf %parallel_loop3A_450, %parallel_loop3A_455 : vector<16xf32>
      %parallel_loop3A_457 = arith.constant 0 : i32
      %parallel_loop3A_458 = arith.index_cast %parallel_loop3A_457 : i32 to index
      %parallel_loop3A_459 = arith.index_cast %parallel_loop3A_365 : i32 to index
      %parallel_loop3A_460 = arith.constant 64 : index
      %parallel_loop3A_461 = tpu.vector_load %arg9[%parallel_loop3A_458, %parallel_loop3A_459, %parallel_loop3A_460] {strides = array<i32>} : memref<2x128x128xf32, #tpu.memory_space<vmem>>, vector<16xf32>,
      %parallel_loop3A_462 = arith.mulf %parallel_loop3A_456, %parallel_loop3A_461 : vector<16xf32>
      %parallel_loop3A_463 = arith.addf %parallel_loop3A_391, %parallel_loop3A_462 : vector<16xf32>
      %parallel_loop3A_464 = arith.constant 0 : i32
      %parallel_loop3A_465 = arith.index_cast %parallel_loop3A_464 : i32 to index
      %parallel_loop3A_466 = arith.index_cast %parallel_loop3A_365 : i32 to index
      %parallel_loop3A_467 = arith.constant 80 : index
      %parallel_loop3A_468 = tpu.vector_load %arg8[%parallel_loop3A_465, %parallel_loop3A_466, %parallel_loop3A_467] {strides = array<i32>} : memref<2x128x128xf32, #tpu.memory_space<vmem>>, vector<16xf32>,
      %parallel_loop3A_469 = arith.constant 0 : i32
      %parallel_loop3A_470 = arith.index_cast %parallel_loop3A_469 : i32 to index
      %parallel_loop3A_471 = arith.index_cast %parallel_loop3A_365 : i32 to index
      %parallel_loop3A_472 = arith.constant 80 : index
      %parallel_loop3A_473 = tpu.vector_load %arg10[%parallel_loop3A_470, %parallel_loop3A_471, %parallel_loop3A_472] {strides = array<i32>} : memref<2x128x128xf32, #tpu.memory_space<vmem>>, vector<16xf32>,
      %parallel_loop3A_474 = arith.mulf %parallel_loop3A_468, %parallel_loop3A_473 : vector<16xf32>
      %parallel_loop3A_475 = arith.constant 0 : i32
      %parallel_loop3A_476 = arith.index_cast %parallel_loop3A_475 : i32 to index
      %parallel_loop3A_477 = arith.index_cast %parallel_loop3A_365 : i32 to index
      %parallel_loop3A_478 = arith.constant 80 : index
      %parallel_loop3A_479 = tpu.vector_load %arg9[%parallel_loop3A_476, %parallel_loop3A_477, %parallel_loop3A_478] {strides = array<i32>} : memref<2x128x128xf32, #tpu.memory_space<vmem>>, vector<16xf32>,
      %parallel_loop3A_480 = arith.mulf %parallel_loop3A_474, %parallel_loop3A_479 : vector<16xf32>
      %parallel_loop3A_481 = arith.addf %parallel_loop3A_409, %parallel_loop3A_480 : vector<16xf32>
      %parallel_loop3A_482 = arith.constant 0 : i32
      %parallel_loop3A_483 = arith.index_cast %parallel_loop3A_482 : i32 to index
      %parallel_loop3A_484 = arith.index_cast %parallel_loop3A_365 : i32 to index
      %parallel_loop3A_485 = arith.constant 96 : index
      %parallel_loop3A_486 = tpu.vector_load %arg8[%parallel_loop3A_483, %parallel_loop3A_484, %parallel_loop3A_485] {strides = array<i32>} : memref<2x128x128xf32, #tpu.memory_space<vmem>>, vector<16xf32>,
      %parallel_loop3A_487 = arith.constant 0 : i32
      %parallel_loop3A_488 = arith.index_cast %parallel_loop3A_487 : i32 to index
      %parallel_loop3A_489 = arith.index_cast %parallel_loop3A_365 : i32 to index
      %parallel_loop3A_490 = arith.constant 96 : index
      %parallel_loop3A_491 = tpu.vector_load %arg10[%parallel_loop3A_488, %parallel_loop3A_489, %parallel_loop3A_490] {strides = array<i32>} : memref<2x128x128xf32, #tpu.memory_space<vmem>>, vector<16xf32>,
      %parallel_loop3A_492 = arith.mulf %parallel_loop3A_486, %parallel_loop3A_491 : vector<16xf32>
      %parallel_loop3A_493 = arith.constant 0 : i32
      %parallel_loop3A_494 = arith.index_cast %parallel_loop3A_493 : i32 to index
      %parallel_loop3A_495 = arith.index_cast %parallel_loop3A_365 : i32 to index
      %parallel_loop3A_496 = arith.constant 96 : index
      %parallel_loop3A_497 = tpu.vector_load %arg9[%parallel_loop3A_494, %parallel_loop3A_495, %parallel_loop3A_496] {strides = array<i32>} : memref<2x128x128xf32, #tpu.memory_space<vmem>>, vector<16xf32>,
      %parallel_loop3A_498 = arith.mulf %parallel_loop3A_492, %parallel_loop3A_497 : vector<16xf32>
      %parallel_loop3A_499 = arith.addf %parallel_loop3A_427, %parallel_loop3A_498 : vector<16xf32>
      %parallel_loop3A_500 = arith.constant 0 : i32
      %parallel_loop3A_501 = arith.index_cast %parallel_loop3A_500 : i32 to index
      %parallel_loop3A_502 = arith.index_cast %parallel_loop3A_365 : i32 to index
      %parallel_loop3A_503 = arith.constant 112 : index
      %parallel_loop3A_504 = tpu.vector_load %arg8[%parallel_loop3A_501, %parallel_loop3A_502, %parallel_loop3A_503] {strides = array<i32>} : memref<2x128x128xf32, #tpu.memory_space<vmem>>, vector<16xf32>,
      %parallel_loop3A_505 = arith.constant 0 : i32
      %parallel_loop3A_506 = arith.index_cast %parallel_loop3A_505 : i32 to index
      %parallel_loop3A_507 = arith.index_cast %parallel_loop3A_365 : i32 to index
      %parallel_loop3A_508 = arith.constant 112 : index
      %parallel_loop3A_509 = tpu.vector_load %arg10[%parallel_loop3A_506, %parallel_loop3A_507, %parallel_loop3A_508] {strides = array<i32>} : memref<2x128x128xf32, #tpu.memory_space<vmem>>, vector<16xf32>,
      %parallel_loop3A_510 = arith.mulf %parallel_loop3A_504, %parallel_loop3A_509 : vector<16xf32>
      %parallel_loop3A_511 = arith.constant 0 : i32
      %parallel_loop3A_512 = arith.index_cast %parallel_loop3A_511 : i32 to index
      %parallel_loop3A_513 = arith.index_cast %parallel_loop3A_365 : i32 to index
      %parallel_loop3A_514 = arith.constant 112 : index
      %parallel_loop3A_515 = tpu.vector_load %arg9[%parallel_loop3A_512, %parallel_loop3A_513, %parallel_loop3A_514] {strides = array<i32>} : memref<2x128x128xf32, #tpu.memory_space<vmem>>, vector<16xf32>,
      %parallel_loop3A_516 = arith.mulf %parallel_loop3A_510, %parallel_loop3A_515 : vector<16xf32>
      %parallel_loop3A_517 = arith.addf %parallel_loop3A_445, %parallel_loop3A_516 : vector<16xf32>
      %parallel_loop3A_518 = arith.addf %parallel_loop3A_463, %parallel_loop3A_481 : vector<16xf32>
      %parallel_loop3A_519 = arith.addf %parallel_loop3A_499, %parallel_loop3A_517 : vector<16xf32>
      %parallel_loop3A_520 = arith.addf %parallel_loop3A_518, %parallel_loop3A_519 : vector<16xf32>
      %parallel_loop3A_521 = arith.constant true
      %parallel_loop3A_522 = vector.broadcast %parallel_loop3A_521 : i1 to vector<16xi1>
      %parallel_loop3A_523 = tpu.scan <sum>, %parallel_loop3A_520 masked %parallel_loop3A_522 : vector<16xf32>, vector<16xi1> -> vector<16xf32>
      %parallel_loop3A_524 = arith.constant 0 : i32
      %parallel_loop3A_525 = arith.index_cast %parallel_loop3A_524 : i32 to index
      %parallel_loop3A_526 = arith.index_cast %parallel_loop3A_365 : i32 to index
      %parallel_loop3A_527 = tpu.vector_load %arg11[%parallel_loop3A_525, %parallel_loop3A_526] masked %eq3A_4 {strides = array<i32>} : memref<2x144xf32, #tpu.memory_space<vmem>>, vector<16xf32>, vector<16xi1>
      tpu.vector_store %arg11[%parallel_loop3A_525, %parallel_loop3A_526], %parallel_loop3A_523 masked %eq3A_4 {strides = array<i32>} : memref<2x144xf32, #tpu.memory_space<vmem>>, vector<16xf32>, vector<16xi1>
    } {sc.loop_unroll_factor = 4 : i64, sc.parallel_access}
    %add3A_336 = arith.constant 256 : i32
    %add3A_337 = arith.addi %mul3A_2, %add3A_336 : i32
    %dma_start3A_338 = arith.constant 0 : i32
    %dma_start3A_339 = arith.constant 0 : i32
    %dma_start3A_340 = tpu.memref_slice %arg11[%dma_start3A_338, %dma_start3A_339] : memref<2x144xf32, #tpu.memory_space<vmem>> -> memref<1x128xf32, #tpu.memory_space<vmem>>
    %dma_start3A_341 = tpu.memref_squeeze %dma_start3A_340 : memref<1x128xf32, #tpu.memory_space<vmem>> -> memref<128xf32, #tpu.memory_space<vmem>>
    %dma_start3A_342 = tpu.memref_slice %arg6[%add3A_337] : memref<12288xf32, #tpu.memory_space<hbm>> -> memref<128xf32, #tpu.memory_space<hbm>>
    %dma_start3A_343 = tpu.memref_slice %arg6[%add3A_337] : memref<12288xf32, #tpu.memory_space<hbm>> -> memref<128xf32, #tpu.memory_space<hbm>>
    %dma_start3A_344 = arith.constant 0 : i32
    %dma_start3A_345 = tpu.memref_slice %arg11[%dma_start3A_338, %dma_start3A_344] : memref<2x144xf32, #tpu.memory_space<vmem>> -> memref<1x128xf32, #tpu.memory_space<vmem>>
    %dma_start3A_346 = tpu.memref_squeeze %dma_start3A_345 : memref<1x128xf32, #tpu.memory_space<vmem>> -> memref<128xf32, #tpu.memory_space<vmem>>
    tpu.enqueue_dma source(%dma_start3A_346 : memref<128xf32, #tpu.memory_space<vmem>>) target(%dma_start3A_343 : memref<128xf32, #tpu.memory_space<hbm>>) target_semaphore(%arg15 : memref<!tpu.dma_semaphore, #tpu.memory_space<semaphore_mem>>)
    %dma_wait3A_347 = arith.constant 0 : i32
    %dma_wait3A_348 = arith.constant 0 : i32
    %dma_wait3A_349 = tpu.memref_slice %arg11[%dma_wait3A_347, %dma_wait3A_348] : memref<2x144xf32, #tpu.memory_space<vmem>> -> memref<1x128xf32, #tpu.memory_space<vmem>>
    %dma_wait3A_350 = tpu.memref_squeeze %dma_wait3A_349 : memref<1x128xf32, #tpu.memory_space<vmem>> -> memref<128xf32, #tpu.memory_space<vmem>>
    %dma_wait3A_351 = tpu.memref_slice %arg6[%add3A_337] : memref<12288xf32, #tpu.memory_space<hbm>> -> memref<128xf32, #tpu.memory_space<hbm>>
    %dma_wait3A_352 = tpu.memref_slice %arg6[%add3A_337] : memref<12288xf32, #tpu.memory_space<hbm>> -> memref<128xf32, #tpu.memory_space<hbm>>
    %dma_wait3A_353 = arith.constant 0 : i32
    %dma_wait3A_354 = tpu.memref_slice %arg11[%dma_wait3A_347, %dma_wait3A_353] : memref<2x144xf32, #tpu.memory_space<vmem>> -> memref<1x128xf32, #tpu.memory_space<vmem>>
    %dma_wait3A_355 = tpu.memref_squeeze %dma_wait3A_354 : memref<1x128xf32, #tpu.memory_space<vmem>> -> memref<128xf32, #tpu.memory_space<vmem>>
    tpu.wait_dma2 semaphore(%arg15 : memref<!tpu.dma_semaphore, #tpu.memory_space<semaphore_mem>>) src(%dma_wait3A_355 : memref<128xf32, #tpu.memory_space<vmem>>) dst(%dma_wait3A_352 : memref<128xf32, #tpu.memory_space<hbm>>)
    %dma_wait3A_356 = arith.constant 1 : i32
    %dma_wait3A_357 = arith.constant 0 : i32
    %dma_wait3A_358 = tpu.memref_slice %arg11[%dma_wait3A_356, %dma_wait3A_357] : memref<2x144xf32, #tpu.memory_space<vmem>> -> memref<1x128xf32, #tpu.memory_space<vmem>>
    %dma_wait3A_359 = tpu.memref_squeeze %dma_wait3A_358 : memref<1x128xf32, #tpu.memory_space<vmem>> -> memref<128xf32, #tpu.memory_space<vmem>>
    %dma_wait3A_360 = tpu.memref_slice %arg6[%add3A_276] : memref<12288xf32, #tpu.memory_space<hbm>> -> memref<128xf32, #tpu.memory_space<hbm>>
    %dma_wait3A_361 = tpu.memref_slice %arg6[%add3A_276] : memref<12288xf32, #tpu.memory_space<hbm>> -> memref<128xf32, #tpu.memory_space<hbm>>
    %dma_wait3A_362 = arith.constant 0 : i32
    %dma_wait3A_363 = tpu.memref_slice %arg11[%dma_wait3A_356, %dma_wait3A_362] : memref<2x144xf32, #tpu.memory_space<vmem>> -> memref<1x128xf32, #tpu.memory_space<vmem>>
    %dma_wait3A_364 = tpu.memref_squeeze %dma_wait3A_363 : memref<1x128xf32, #tpu.memory_space<vmem>> -> memref<128xf32, #tpu.memory_space<vmem>>
    tpu.wait_dma2 semaphore(%arg15 : memref<!tpu.dma_semaphore, #tpu.memory_space<semaphore_mem>>) src(%dma_wait3A_364 : memref<128xf32, #tpu.memory_space<vmem>>) dst(%dma_wait3A_361 : memref<128xf32, #tpu.memory_space<hbm>>)
    return
  }
}

module attributes {stable_mosaic.version = 14 : i64} {
  func.func @_tc_body(%arg0: i32, %arg1: memref<512x128xf32, #tpu.memory_space<vmem>>, %arg2: memref<512x128xf32, #tpu.memory_space<vmem>>, %arg3: memref<512xi32, #tpu.memory_space<vmem>>, %arg4: memref<1000x128xf32, #tpu.memory_space<vmem>>, %arg5: memref<512xf32, #tpu.memory_space<vmem>>) attributes {dimension_semantics = [#tpu.dimension_semantics<arbitrary>], iteration_bounds = array<i64: 8>, scalar_prefetch = 0 : i64, scratch_operands = 0 : i64, tpu.core_type = #tpu.core_type<tc>, window_params = [{transform_indices = @transform_0, window_bounds = array<i64: 512, 128>}, {transform_indices = @transform_1, window_bounds = array<i64: 512, 128>}, {transform_indices = @transform_2, window_bounds = array<i64: 512>}, {pipeline_mode = #tpu.pipeline_mode<synchronous>, transform_indices = @transform_3, window_bounds = array<i64: 1000, 128>}, {transform_indices = @transform_4, window_bounds = array<i64: 512>}]} {
    %get3A = arith.constant 0 : index
    %get3A_0 = arith.constant 0 : index
    %get3A_1 = vector.load %arg1[%get3A, %get3A_0] : memref<512x128xf32, #tpu.memory_space<vmem>>, vector<512x128xf32>
    %get3A_2 = arith.constant 0 : index
    %get3A_3 = arith.constant 0 : index
    %get3A_4 = vector.load %arg2[%get3A_2, %get3A_3] : memref<512x128xf32, #tpu.memory_space<vmem>>, vector<512x128xf32>
    %mul3A = arith.mulf %get3A_1, %get3A_4 : vector<512x128xf32>
    %get3A_5 = arith.constant 0 : index
    %get3A_6 = arith.constant 0 : index
    %get3A_7 = vector.load %arg4[%get3A_5, %get3A_6] : memref<1000x128xf32, #tpu.memory_space<vmem>>, vector<1000x128xf32>
    %convert_element_type3A = arith.truncf %mul3A : vector<512x128xf32> to vector<512x128xbf16>
    %convert_element_type3A_8 = arith.extf %convert_element_type3A : vector<512x128xbf16> to vector<512x128xf32>
    %sub3A = arith.subf %mul3A, %convert_element_type3A_8 : vector<512x128xf32>
    %convert_element_type3A_9 = arith.truncf %sub3A : vector<512x128xf32> to vector<512x128xbf16>
    %convert_element_type3A_10 = arith.truncf %get3A_7 : vector<1000x128xf32> to vector<1000x128xbf16>
    %convert_element_type3A_11 = arith.extf %convert_element_type3A_10 : vector<1000x128xbf16> to vector<1000x128xf32>
    %sub3A_12 = arith.subf %get3A_7, %convert_element_type3A_11 : vector<1000x128xf32>
    %convert_element_type3A_13 = arith.truncf %sub3A_12 : vector<1000x128xf32> to vector<1000x128xbf16>
    %dot_general3A = arith.constant dense<0.000000e+00> : vector<512x1000xf32>
    %dot_general3A_14 = tpu.matmul %convert_element_type3A, %convert_element_type3A_10, %dot_general3A {dimension_numbers = #tpu.dot_dimension_numbers<[1], [1], [0], [0], [0, 0, 1, 0], [], []>, transpose_lhs_hint = false} : vector<512x128xbf16>, vector<1000x128xbf16>, vector<512x1000xf32> -> vector<512x1000xf32>
    %dot_general3A_15 = arith.constant dense<0.000000e+00> : vector<512x1000xf32>
    %dot_general3A_16 = tpu.matmul %convert_element_type3A, %convert_element_type3A_13, %dot_general3A_15 {dimension_numbers = #tpu.dot_dimension_numbers<[1], [1], [0], [0], [0, 0, 1, 0], [], []>, transpose_lhs_hint = false} : vector<512x128xbf16>, vector<1000x128xbf16>, vector<512x1000xf32> -> vector<512x1000xf32>
    %dot_general3A_17 = arith.constant dense<0.000000e+00> : vector<512x1000xf32>
    %dot_general3A_18 = tpu.matmul %convert_element_type3A_9, %convert_element_type3A_10, %dot_general3A_17 {dimension_numbers = #tpu.dot_dimension_numbers<[1], [1], [0], [0], [0, 0, 1, 0], [], []>, transpose_lhs_hint = false} : vector<512x128xbf16>, vector<1000x128xbf16>, vector<512x1000xf32> -> vector<512x1000xf32>
    %add3A = arith.addf %dot_general3A_16, %dot_general3A_18 : vector<512x1000xf32>
    %add3A_19 = arith.addf %dot_general3A_14, %add3A : vector<512x1000xf32>
    %iota3A = tpu.iota {dimensions = array<i32: 1>} : vector<512x1000xi32>
    %get3A_20 = arith.constant 0 : index
    %get3A_21 = vector.load %arg3[%get3A_20] : memref<512xi32, #tpu.memory_space<vmem>>, vector<512xi32>
    %broadcast_in_dim3A = vector.shape_cast %get3A_21 : vector<512xi32> to vector<512x1xi32>
    %eq3A = vector.broadcast %broadcast_in_dim3A : vector<512x1xi32> to vector<512x1000xi32>
    %eq3A_22 = arith.cmpi eq, %iota3A, %eq3A : vector<512x1000xi32>
    %jit3A = arith.constant 0.000000e+00 : f32
    %broadcast_in_dim3A_23 = vector.broadcast %jit3A : f32 to vector<512x1000xf32>
    %select_n3A = arith.select %eq3A_22, %add3A_19, %broadcast_in_dim3A_23 : vector<512x1000xi1>, vector<512x1000xf32>
    %reduce_sum3A = arith.constant dense<0.000000e+00> : vector<512xf32>
    %reduce_sum3A_24 = vector.multi_reduction <add>, %select_n3A, %reduce_sum3A [1] : vector<512x1000xf32> to vector<512xf32>
    %swap3A = arith.constant 0 : index
    %swap3A_25 = vector.load %arg5[%swap3A] : memref<512xf32, #tpu.memory_space<vmem>>, vector<512xf32>
    tpu.vector_store %arg5[%swap3A], %reduce_sum3A_24 {strides = array<i32>} : memref<512xf32, #tpu.memory_space<vmem>>, vector<512xf32>,
    return
  }
  func.func @transform_0(%arg0: i32) -> (i32, i32) {
    %add3A = arith.constant 24 : i32
    %add3A_0 = arith.addi %arg0, %add3A : i32
    %c0_i32 = arith.constant 0 : i32
    %c0_i32_1 = arith.constant 0 : i32
    return %add3A_0, %c0_i32 : i32, i32
  }
  func.func @transform_1(%arg0: i32) -> (i32, i32) {
    %add3A = arith.constant 24 : i32
    %add3A_0 = arith.addi %arg0, %add3A : i32
    %c0_i32 = arith.constant 0 : i32
    %c0_i32_1 = arith.constant 0 : i32
    return %add3A_0, %c0_i32 : i32, i32
  }
  func.func @transform_2(%arg0: i32) -> i32 {
    %add3A = arith.constant 24 : i32
    %add3A_0 = arith.addi %arg0, %add3A : i32
    %c0_i32 = arith.constant 0 : i32
    return %add3A_0 : i32
  }
  func.func @transform_3(%arg0: i32) -> (i32, i32) {
    %c0_i32 = arith.constant 0 : i32
    %c0_i32_0 = arith.constant 0 : i32
    %c0_i32_1 = arith.constant 0 : i32
    return %c0_i32, %c0_i32_0 : i32, i32
  }
  func.func @transform_4(%arg0: i32) -> i32 {
    %c0_i32 = arith.constant 0 : i32
    return %arg0 : i32
  }
}

</mosaic_0001>

<sc_bundles>
// kernel: _dist_mult.4.cloned.1.call-start
scs
__scs_entry_jumppad:
0x0: {  	(pc) =	sbr.rel $0x88, $3  }
0x1: {  	(tag) =	ssettag $0x0;
	lr =	simm.s32 $0x1  }
0x2: {  	[smem:$0x3F9D] =	sst lr;
	_ =	strace $0xD0000000  }
0x3: {  	_ = 	snop  }
0x4: {  	_ = 	snop  }
0x5: {  	_ = 	snop  }
0x6: {  	_ = 	snop  }
0x7: {  	_ = 	snop  }
__scs_overlays_trampoline_lowered:
0x8: {  	[smem:$0x3FAC] =	sst s0  }
0x9: {  	[smem:$0x3FAD] =	sst s1  }
0xa: {  	[smem:$0x3FAE] =	sst s2  }
0xb: {  	[smem:$0x3FAF] =	sst s3  }
0xc: {  	[smem:$0x3FB0] =	sst s4  }
0xd: {  	[smem:$0x3FB1] =	sst s5  }
0xe: {  	[smem:$0x3FB2] =	sst s6  }
0xf: {  	[smem:$0x3FB3] =	sst s7  }
0x10: {  	[smem:$0x3FB4] =	sst s8  }
0x11: {  	[smem:$0x3FB5] =	sst s9;
	s0 =	simm.s32 @!p0 $0x0  }
0x12: {  	s1 =	sld [smem:$0x3F9B];
	s0 =	simm.s32 @p0 $0x1  }
0x13: {  	[smem:$0x3FB6] =	sst s0;
	s0 =	simm.s32 @!p1 $0x0  }
0x14: {  	s2 =	sld [smem:$0x3F9A];
	s0 =	simm.s32 @p1 $0x1  }
0x15: {  	[smem:$0x3FB7] =	sst s0;
	s0 =	simm.s32 @!p2 $0x0  }
0x16: {  	s3 =	sld [smem:$0x3FDB];
	s0 =	simm.s32 @p2 $0x1  }
0x17: {  	s4 =	simm.s32 $0x1BF5;
	[smem:$0x3FB9] =	sst s0  }
0x18: {  	s0 =	sld [smem:$0x3F9C];
	_ =	swait.ge [sflag:s4], $0x0  }
0x19: {  	s7 =	sld [smem:$0x3F9D]  }
0x1a: {  	s8 =	sadd.s32 $0xFFFFE003, lr  }
0x1b: {  	s9 =	sadd.s32 $0xFFFFFEF7, lr;
	s5 =	simm.s32 $0xFFFFFFFF;
	p2 =	slt.u32 s8, $0xFFFFF086  }
0x1c: {  	p1 =	slt.u32 s9, $0xF7A;
	s5 =	simm.s32 @!p2 $0x0  }
0x1d: {  	s5 =	simm.s32 @p1 $0x1;
	p0 =	seq.s32 s7, s2  }
0x1e: {  	s7 =	smul.u32 @!p0 $0xF7A, s2;
	p2 =	seq.s32 @!p0 s5, $0x0  }
0x1f: {  	s9 =	smul.u32 $0xF7A, s1;
	s8 =	simm.s32 @!p0 $0x1BF5;
	p2 =	por !p2, p0  }
0x20: {  	[sflag:s8] =	ssyncset.s32 @!p0 $0xFFFFF086;
	s6 =	sadd.s32 @!p0 s3, s7;
	s7 =	simm.s32 @!p0 $0x108  }
0x21: {  	s3 =	sadd.s32 s3, s9;
	s6 =	sadd.s32 @!p0 $0x88, s6;
	s7 =	simm.s32 @p2 $0x1082  }
0x22: {  	[simem:s7], [sflag:s8] =	dma.local @!p0 [hbm:s6], $0xF7A  }
0x23: {  	s9 =	sor.u32 $0xD0000000, s2;
	s6 =	simm.s32 $0x108;
	_ =	swait.ge @!p0 [sflag:s8], $0x0  }
0x24: {  	s3 =	sadd.s32 $0x88, s3;
	s6 =	simm.s32 @!p1 $0x1082;
	[sflag:s4] =	ssyncset.s32 $0xFFFFF086  }
0x25: {  	[simem:s6], [sflag:s4] =	dma.local [hbm:s3], $0xF7A  }
0x26: {  	[smem:$0x3F9D] =	sst s1;
	(tag) =	ssettag s2;
	_ =	strace s9  }
0x27: {  	s1 =	sld [smem:$0x3FAD]  }
0x28: {  	s2 =	sld [smem:$0x3FAE]  }
0x29: {  	s4 =	sld [smem:$0x3FB0]  }
0x2a: {  	p0 =	seq.s32 s5, $0x0;
	s5 =	sld [smem:$0x3FB1]  }
0x2b: {  	s6 =	sld [smem:$0x3FB2]  }
0x2c: {  	s7 =	sld [smem:$0x3FB3]  }
0x2d: {  	s3 =	simm.s32 $0x108;
	s8 =	sld [smem:$0x3FB4]  }
0x2e: {  	s3 =	simm.s32 @!p0 $0x1082;
	s9 =	sld [smem:$0x3FB5]  }
0x2f: {  	lr =	sadd.s32 s0, s3;
	s0 =	sld [smem:$0x3FAC]  }
0x30: {  	s3 =	sld [smem:$0x3FAF]  }
0x31: {  	[smem:$0x3FB8] =	sst s10  }
0x32: {  	s10 =	sld [smem:$0x3FB6];
	_ =	sdelay $0x3  }
0x33: {  	p0 =	seq.s32 s10, $0x1;
	s10 =	sld [smem:$0x3FB8];
	_ =	sdelay $0x3  }
0x34: {  	[smem:$0x3FB8] =	sst s10  }
0x35: {  	s10 =	sld [smem:$0x3FB7];
	_ =	sdelay $0x3  }
0x36: {  	p1 =	seq.s32 s10, $0x1;
	s10 =	sld [smem:$0x3FB8];
	_ =	sdelay $0x3  }
0x37: {  	[smem:$0x3FB8] =	sst s10  }
0x38: {  	s10 =	sld [smem:$0x3FB9]  }
0x39: {  	_ = 	snop;
	(pc) =	sbr.ind lr, $3  }
0x3a: {  	_ = 	snop  }
0x3b: {  	_ = 	snop  }
0x3c: {  	p2 =	seq.s32 s10, $0x1;
	s10 =	sld [smem:$0x3FB8]  }
0x3d: {  	_ =	shalt  }
0x3e: {  	_ =	shalt  }
0x3f: {  	_ =	shalt  }
0x40: {  	_ =	shalt  }
0x41: {  	_ =	shalt  }
0x42: {  	_ =	shalt  }
0x43: {  	_ =	shalt  }
0x44: {  	_ =	shalt  }
0x45: {  	_ =	shalt  }
0x46: {  	_ =	shalt  }
0x47: {  	_ =	shalt  }
0x48: {  	_ =	shalt  }
0x49: {  	_ =	shalt  }
0x4a: {  	_ =	shalt  }
0x4b: {  	_ =	shalt  }
0x4c: {  	_ =	shalt  }
0x4d: {  	_ =	shalt  }
0x4e: {  	_ =	shalt  }
0x4f: {  	_ =	shalt  }
0x50: {  	_ =	shalt  }
0x51: {  	_ =	shalt  }
0x52: {  	_ =	shalt  }
0x53: {  	_ =	shalt  }
0x54: {  	_ =	shalt  }
0x55: {  	_ =	shalt  }
0x56: {  	_ =	shalt  }
0x57: {  	_ =	shalt  }
0x58: {  	_ =	shalt  }
0x59: {  	_ =	shalt  }
0x5a: {  	_ =	shalt  }
0x5b: {  	_ =	shalt  }
0x5c: {  	_ =	shalt  }
0x5d: {  	_ =	shalt  }
0x5e: {  	_ =	shalt  }
0x5f: {  	_ =	shalt  }
0x60: {  	_ =	shalt  }
0x61: {  	_ =	shalt  }
0x62: {  	_ =	shalt  }
0x63: {  	_ =	shalt  }
0x64: {  	_ =	shalt  }
0x65: {  	_ =	shalt  }
0x66: {  	_ =	shalt  }
0x67: {  	_ =	shalt  }
0x68: {  	_ =	shalt  }
0x69: {  	_ =	shalt  }
0x6a: {  	_ =	shalt  }
0x6b: {  	_ =	shalt  }
0x6c: {  	_ =	shalt  }
0x6d: {  	_ =	shalt  }
0x6e: {  	_ =	shalt  }
0x6f: {  	_ =	shalt  }
0x70: {  	_ =	shalt  }
0x71: {  	_ =	shalt  }
0x72: {  	_ =	shalt  }
0x73: {  	_ =	shalt  }
0x74: {  	_ =	shalt  }
0x75: {  	_ =	shalt  }
0x76: {  	_ =	shalt  }
0x77: {  	_ =	shalt  }
0x78: {  	_ =	shalt  }
0x79: {  	_ =	shalt  }
0x7a: {  	_ =	shalt  }
0x7b: {  	_ =	shalt  }
0x7c: {  	_ =	shalt  }
0x7d: {  	_ =	shalt  }
0x7e: {  	_ =	shalt  }
0x7f: {  	_ =	shalt  }
0x80: {  	_ =	shalt  }
0x81: {  	_ =	shalt  }
0x82: {  	_ =	shalt  }
0x83: {  	_ =	shalt  }
0x84: {  	_ =	shalt  }
0x85: {  	_ =	shalt  }
0x86: {  	_ =	shalt  }
0x87: {  	_ =	shalt  }
.Lfunc_end0:
.L_simem_size_0:
called_computation_lowered:
.L_overlay_start_0:
0x88: {  	s2 =	sld [smem:$0x3FD9]  }
0x89: {  	s3 =	sld [smem:$0x3FFE];
	_ =	sdelay $0x1  }
0x8a: {  	s1 =	srdreg.scid  }
0x8b: {  	s0 =	sand.u32 $0x1, s1  }
0x8c: {  	s17 =	sshll.u32 s0, $0xA;
	s2 =	sadd.s32 s3, s2  }
0x8d: {  	s2 =	sadd.s32 s2, s17  }
0x8e: {  	[smem:$0x3FC4] =	sst s2  }
0x8f: {  	_ = 	snop  }
0x90: {  	s2 =	sld [smem:$0x3FC9]  }
0x91: {  	s18 =	sld [smem:$0x3FC8]  }
0x92: {  	s4 =	sld [smem:$0x3FC7]  }
0x93: {  	s5 =	sld [smem:$0x3FC6];
	(tm) =	ssettm $0x1  }
0x94: {  	s6 =	sld [smem:$0x3FFB];
	_ =	sdelay $0x3  }
0x95: {  	_ =	strace s6  }
0x96: {  	s6 =	sld [smem:$0x3FFC];
	_ =	sdelay $0x3  }
0x97: {  	_ =	strace s6  }
0x98: {  	s6 =	sld [smem:$0x3FFD];
	_ =	sdelay $0x3  }
0x99: {  	_ =	strace s6  }
0x9a: {  	_ =	strace $0x8FFFFFFF  }
0x9b: {  	s19 =	sld [smem:$0x3FDB];
	_ =	sdelay $0x1  }
0x9c: {  	s7 =	simm.s32 $_scs_section_size  }
0x9d: {  	s8 =	simm.s32 $_size__tile_overlayer_lowered;
	s9 =	simm.s32 $_tile_overlayer_lowered  }
0x9e: {  	s22 =	simm.s32 $0x1BFF;
	s21 =	sshll.u32 s9, $0x1;
	s6 =	sadd.s32 s7, s19  }
0x9f: {  	s10 =	simm.s32 $0x0;
	s20 =	sshll.u32 s8, $0x1;
	s8 =	sadd.s32 s21, s6  }
0xa0: {  	[timem:s10], [sflag:s22] =	dma.local [hbm:s8], s20  }
0xa1: {  	_ =	swait.ge [sflag:s22], s20  }
0xa2: {  	s7 =	ssub.s32 $0x0, s20;
	[sflag:s22] =	ssyncset.done $0x0  }
0xa3: {  	[sflag:s22] =	ssyncadd.s32 s7;
	_ =	sdelay $0x1  }
0xa4: {  	s23 =	simm.s32 $0x1B8B  }
0xa5: {  	_ =	swait.ge [sflag:s23], $0x1  }
0xa6: {  	[sflag:s23] =	ssyncset.done $0x0  }
0xa7: {  	s25 =	simm.s32 $0x1B8E;
	s24 =	sld [smem:$0x3FFE];
	[sflag:s23] =	ssyncadd.s32 $0xFFFFFFFF  }
0xa8: {  	s26 =	simm.s32 $execute0_lowered;
	[smem:$0x3FD2] =	sst s25  }
0xa9: {  	s8 =	sshll.u32 s26, $0x1;
	_ =	strace $0x80000046;
	[dreg:$0x1] =	wrdreg $0xFFFFFFFF  }
0xaa: {  	s28 =	simm.s32 $_size_execute0_lowered;
	s6 =	sadd.s32 s6, s8;
	[dreg:$0x0] =	wrdreg $0x0  }
0xab: {  	s8 =	sshll.u32 s28, $0x1;
	[dreg:$0x2] =	wrdreg s6  }
0xac: {  	[dreg:$0x3] =	wrdreg s8  }
0xad: {  	[dreg:$0x4] =	wrdreg $0xC0  }
0xae: {  	_ =	task [dreg:s10], $0x5FFFF  }
0xaf: {  	[dreg:$0x1] =	wrdreg $0xFFFFFFFF  }
0xb0: {  	[dreg:$0x0] =	wrdreg $0x60  }
0xb1: {  	[dreg:$0x2] =	wrdreg s2  }
0xb2: {  	[dreg:$0x3] =	wrdreg s18  }
0xb3: {  	[dreg:$0x4] =	wrdreg s4  }
0xb4: {  	[dreg:$0x5] =	wrdreg s5  }
0xb5: {  	[dreg:$0x6] =	wrdreg s24  }
0xb6: {  	[dreg:$0x7] =	wrdreg $0x9  }
0xb7: {  	_ =	task.clear_ibuf [dreg:s10], $0x8FFFF;
	_ =	strace $0x90000046  }
0xb8: {  	s29 =	simm.s32 $0x9;
	_ =	strace $0x80000048  }
0xb9: {  	_ =	swait.ge [sflag:s29], $0x1  }
0xba: {  	[sflag:s29] =	ssyncadd.s32 $0xFFFFFFFF  }
0xbb: {  	_ =	strace $0x90000048  }
0xbc: {  	_ =	sfence  }
0xbd: {  	s30 =	sld [smem:$0x0];
	_ =	sdelay $0x2  }
0xbe: {  	s31 =	sshll.u32 s1, $0xD;
	s1 =	sshrl.u32 s1, $0x2  }
0xbf: {  	s3 =	sand.u32 $0x4000, s31;
	s1 =	sadd.s32 s1, s30  }
0xc0: {  	s0 =	sor.u32 s3, s0;
	s1 =	sshll.u32 s1, $0x11  }
0xc1: {  	s0 =	sor.u32 s1, s0  }
0xc2: {  	s0 =	sadd.s32 $0x8F2B, s0  }
0xc3: {  	[sflag:s0] =	ssyncadd.remote.s32 $0x1  }
0xc4: {  	_ =	sfence.sel $0xFFFF  }
0xc5: {  	[dreg:$0x0] =	wrdreg $0xFFFFFFFF;
	(pc) =	sbr.abs _section_cstart, $3  }
0xc6: {  	[dreg:$0x1] =	wrdreg $0xFFFFFFFF  }
0xc7: {  	_ =	task.clear_ibuf [dreg:s10], $0x2FFFF;
	_ =	strace $0x9FFFFFFF  }
0xc8: {  	(tm) =	ssettm $0x7FFFFFFF  }
0xc9: {  	_ =	shalt  }
tec
execute0_lowered:
.L_overlay_start_1:
0x0: {  	(tag) =	ssettag $0x1  }
0x1: {  	s0 =	rddreg [dreg:$0x0]  }
0x2: {  	s1 =	rddreg [dreg:$0x1]  }
0x3: {  	s6 =	rddreg [dreg:$0x2]  }
0x4: {  	s2 =	rddreg [dreg:$0x3]  }
0x5: {  	s4 =	rddreg [dreg:$0x4]  }
0x6: {  	s3 =	srdreg.scid;
	s7 =	stileid.u32;
	s18 =	simm.s32 $0x100  }
0x7: {  	s19 =	simm.s32 $0x1;
	s20 =	simm.s32 $0x10200;
	s21 =	simm.s32 $0x200  }
0x8: {  	s22 =	simm.s32 $0x8200;
	s28 =	simm.s32 $0x18200;
	s29 =	simm.s32 $0x3  }
0x9: {  	s31 =	simm.s32 $0x4;
	s5 =	sand.u32 $0x1, s3;
	s7 =	sshll.u32 s7, $0x1  }
0xa: {  	s3 =	simm.s32 $0x0;
	s8 =	ssub.s32 $0x2, s5;
	s5 =	sor.u32 s5, s7  }
0xb: {  	s15 =	sadd.s32 $0xC00, s4;
	[smem:$0x7FF] =	sst s3;
	s9 =	smul.u32 $0x180, s5  }
0xc: {  	s26 =	sshrl.u32 s8, $0x1;
	_ =	strace $0x80000047;
	s30 =	smul.u32 $0x1800, s5  }
0xd: {  	s16 =	ssub.s32 s8, s26;
	s26 =	simm.s32 $0x2;
	s11 =	sshrl.u32 s9, $0x3  }
0xe: {  	s10 =	sadd.s32 $0x80, s9;
	s12 =	sadd.s32 $0x100, s9;
	s7 =	sadd.s32 s0, s30  }
0xf: {  	s8 =	sadd.s32 s1, s30;
	s16 =	smax.u32 s16, $0x1;
	s14 =	sshrl.u32 s10, $0x3  }
0x10: {  	s17 =	sshrl.u32 s12, $0x3;
	s4 =	sadd.s32 s6, s11;
	s10 =	sshll.u32 s10, $0x4  }
0x11: {  	s13 =	sshll.u32 s12, $0x4;
	s11 =	sadd.s32 s15, s11;
	s5 =	sadd.s32 s6, s14  }
0x12: {  	s6 =	sadd.s32 s6, s17;
	s9 =	sadd.s32 s0, s10;
	s10 =	sadd.s32 s1, s10  }
0x13: {  	s12 =	sadd.s32 s0, s13;
	s13 =	sadd.s32 s1, s13;
	s14 =	sadd.s32 s15, s14  }
0x14: {  	vm0 =	vcmask $0x3F3C;
	s15 =	sadd.s32 s15, s17;
	s17 =	simm.s32 $0x80;
	s0 =	simm.s32 $0x0  }
.LBB2_1:
0x15: {  	[tilespmem:s3], [sflag:$0x1] =	stream.linear.gather [hbm4b:s4+s3], $0x80, $0x38;
	[tilespmem:$0x18400] =	vst v63  }
0x16: {  	_ = 	snop  }
0x17: {  	[tilespmem:s17], [sflag:$0x1] =	stream.linear.gather [hbm4b:s5+s3], $0x80, $0x38;
	[tilespmem:$0x18400] =	vst v63  }
0x18: {  	_ = 	snop  }
0x19: {  	[tilespmem:s18], [sflag:$0x1] =	stream.linear.gather [hbm4b:s6+s3], $0x80, $0x38;
	[tilespmem:$0x18400] =	vst v63  }
0x1a: {  	_ =	swait.ge [sflag:s19], $0x80  }
0x1b: {  	[sflag:s19] =	ssyncset.done $0x0  }
0x1c: {  	[sflag:s19] =	ssyncadd.s32 $0xFFFFFF80  }
0x1d: {  	_ =	swait.ge [sflag:s19], $0x80  }
0x1e: {  	[sflag:s19] =	ssyncset.done $0x0  }
0x1f: {  	[sflag:s19] =	ssyncadd.s32 $0xFFFFFF80  }
0x20: {  	_ =	swait.ge [sflag:s19], $0x80  }
0x21: {  	[sflag:s19] =	ssyncset.done $0x0  }
0x22: {  	[sflag:s19] =	ssyncadd.s32 $0xFFFFFF80  }
0x23: {  	[tilespmem:s20], [sflag:$0x2] =	stream.indirect.gather [hbm4b:s2+s17], $0x80, s3, s17, $0xb8;
	[tilespmem:$0x18400] =	vst v63  }
0x24: {  	_ = 	snop  }
0x25: {  	[tilespmem:s21], [sflag:$0x2] =	stream.linear.gather [hbm4b:s7+s3], $0x4000, $0x38;
	[tilespmem:$0x18400] =	vst v63  }
0x26: {  	_ = 	snop  }
0x27: {  	[tilespmem:s22], [sflag:$0x2] =	stream.linear.gather [hbm4b:s8+s3], $0x4000, $0x38;
	[tilespmem:$0x18400] =	vst v63  }
0x28: {  	s1 =	simm.s32 $0x14200  }
0x29: {  	[tilespmem:s1], [sflag:$0x3] =	stream.indirect.gather [hbm4b:s2+s17], $0x80, s17, s17, $0xb8;
	[tilespmem:$0x18400] =	vst v63  }
0x2a: {  	s24 =	simm.s32 $0x4200  }
0x2b: {  	[tilespmem:s24], [sflag:$0x3] =	stream.linear.gather [hbm4b:s9+s3], $0x4000, $0x38;
	[tilespmem:$0x18400] =	vst v63  }
0x2c: {  	s25 =	simm.s32 $0xC200  }
0x2d: {  	[tilespmem:s25], [sflag:$0x3] =	stream.linear.gather [hbm4b:s10+s3], $0x4000, $0x38;
	[tilespmem:$0x18400] =	vst v63  }
0x2e: {  	_ =	swait.ge [sflag:s26], $0x4000  }
0x2f: {  	[sflag:s26] =	ssyncset.done $0x0  }
0x30: {  	[sflag:s26] =	ssyncadd.s32 $0xFFFFC000  }
0x31: {  	_ =	swait.ge [sflag:s26], $0x4000  }
0x32: {  	[sflag:s26] =	ssyncset.done $0x0  }
0x33: {  	[sflag:s26] =	ssyncadd.s32 $0xFFFFC000  }
0x34: {  	_ =	swait.ge [sflag:s26], $0x4000  }
0x35: {  	[sflag:s26] =	ssyncset.done $0x0  }
0x36: {  	s30 =	simm.s32 $0x8300;
	[sflag:s26] =	ssyncadd.s32 $0xFFFFC000  }
0x37: {  	v0 =	vld [tilespmem:s30+$0xC0]  }
0x38: {  	v1 =	vld [tilespmem:s30+$0xD0]  }
0x39: {  	s1 =	simm.s32 $0x300;
	v2 =	vld [tilespmem:s30+$0x80]  }
0x3a: {  	s23 =	simm.s32 $0x10300;
	v3 =	vld [tilespmem:s1+$0xC0]  }
0x3b: {  	v4 =	vld [tilespmem:s23+$0xC0]  }
0x3c: {  	v5 =	vld [tilespmem:s1+$0xD0]  }
0x3d: {  	v6 =	vld [tilespmem:s23+$0xD0]  }
0x3e: {  	v7 =	vld [tilespmem:s1+$0xE0]  }
0x3f: {  	v8 =	vld [tilespmem:s23+$0xE0]  }
0x40: {  	v9 =	vld [tilespmem:s1+$0xF0]  }
0x41: {  	v10 =	vld [tilespmem:s23+$0xF0]  }
0x42: {  	v11 =	vld [tilespmem:s1+$0x80]  }
0x43: {  	v12 =	vld [tilespmem:s23+$0x80]  }
0x44: {  	v13 =	vld [tilespmem:s1+$0x90]  }
0x45: {  	v14 =	vld [tilespmem:s23+$0x90]  }
0x46: {  	v15 =	vld [tilespmem:s1+$0xA0]  }
0x47: {  	v16 =	vld [tilespmem:s23+$0xA0]  }
0x48: {  	v17 =	vld [tilespmem:s1+$0xB0]  }
0x49: {  	v18 =	vld [tilespmem:s23+$0xB0]  }
0x4a: {  	v19 =	vld [tilespmem:s30+$0x90]  }
0x4b: {  	v20 =	vld [tilespmem:s30+$0xA0]  }
0x4c: {  	v21 =	vld [tilespmem:s30+$0xB0]  }
0x4d: {  	v22 =	vld [tilespmem:s30+$0xE0]  }
0x4e: {  	v23 =	vld [tilespmem:s30+$0xF0]  }
0x4f: {  	v24 =	vld [tilespmem:s23+$0xFFFFFF00]  }
0x50: {  	v25 =	vld [tilespmem:s1+$0xFFFFFF10]  }
0x51: {  	v26 =	vld [tilespmem:s23+$0xFFFFFF10]  }
0x52: {  	v27 =	vld [tilespmem:s1+$0xFFFFFF20]  }
0x53: {  	v28 =	vld [tilespmem:s23+$0xFFFFFF20]  }
0x54: {  	v29 =	vld [tilespmem:s1+$0xFFFFFF30]  }
0x55: {  	v30 =	vld [tilespmem:s23+$0xFFFFFF30]  }
0x56: {  	v31 =	vld [tilespmem:s1+$0xFFFFFF80]  }
0x57: {  	v32 =	vld [tilespmem:s23+$0xFFFFFF80]  }
0x58: {  	v33 =	vld [tilespmem:s1+$0xFFFFFF90]  }
0x59: {  	v34 =	vld [tilespmem:s23+$0xFFFFFF90]  }
0x5a: {  	v35 =	vld [tilespmem:s1+$0xFFFFFFA0]  }
0x5b: {  	v36 =	vld [tilespmem:s23+$0xFFFFFFA0]  }
0x5c: {  	v37 =	vld [tilespmem:s1+$0xFFFFFFB0]  }
0x5d: {  	v38 =	vld [tilespmem:s23+$0xFFFFFFB0]  }
0x5e: {  	v39 =	vld [tilespmem:s1+$0x0]  }
0x5f: {  	v40 =	vld [tilespmem:s23+$0x0]  }
0x60: {  	v41 =	vld [tilespmem:s1+$0x10]  }
0x61: {  	v42 =	vld [tilespmem:s23+$0x10]  }
0x62: {  	v43 =	vld [tilespmem:s1+$0x20]  }
0x63: {  	v44 =	vld [tilespmem:s23+$0x20]  }
0x64: {  	v45 =	vld [tilespmem:s1+$0x30]  }
0x65: {  	v46 =	vld [tilespmem:s23+$0x30]  }
0x66: {  	v47 =	vld [tilespmem:s1+$0xFFFFFF00]  }
0x67: {  	v48 =	vld [tilespmem:s30+$0xFFFFFF00]  }
0x68: {  	v49 =	vld [tilespmem:s30+$0xFFFFFF10]  }
0x69: {  	v50 =	vld [tilespmem:s30+$0xFFFFFF20]  }
0x6a: {  	v51 =	vld [tilespmem:s30+$0xFFFFFF30]  }
0x6b: {  	v52 =	vld [tilespmem:s1+$0xFFFFFF40]  }
0x6c: {  	v53 =	vld [tilespmem:s23+$0xFFFFFF40]  }
0x6d: {  	v54 =	vld [tilespmem:s1+$0xFFFFFF50]  }
0x6e: {  	v55 =	vld [tilespmem:s23+$0xFFFFFF50]  }
0x6f: {  	v56 =	vld [tilespmem:s1+$0xFFFFFF60]  }
0x70: {  	v57 =	vld [tilespmem:s23+$0xFFFFFF60]  }
0x71: {  	v58 =	vld [tilespmem:s1+$0xFFFFFF70]  }
0x72: {  	v59 =	vld [tilespmem:s23+$0xFFFFFF70]  }
0x73: {  	v60 =	vld [tilespmem:s30+$0xFFFFFF80]  }
0x74: {  	v61 =	vld [tilespmem:s30+$0xFFFFFF90];
	v3 =	vmul.f32 v4, v3;
	v5 =	vmul.f32 v6, v5  }
0x75: {  	v4 =	vld [tilespmem:s30+$0xFFFFFFA0];
	v6 =	vmul.f32 v8, v7;
	v8 =	vmul.f32 v10, v9  }
0x76: {  	v7 =	vld [tilespmem:s30+$0xFFFFFFB0];
	v9 =	vmul.f32 v12, v11;
	v11 =	vmul.f32 v14, v13  }
0x77: {  	v10 =	vld [tilespmem:s1+$0xFFFFFFC0];
	v12 =	vmul.f32 v16, v15;
	v14 =	vmul.f32 v18, v17  }
0x78: {  	v13 =	vld [tilespmem:s23+$0xFFFFFFC0];
	v16 =	vmul.f32 v26, v25;
	v18 =	vmul.f32 v28, v27  }
0x79: {  	v15 =	vld [tilespmem:s23+$0xFFFFFFE0];
	v25 =	vmul.f32 v38, v37;
	v24 =	vmul.f32 v24, v47  }
0x7a: {  	v17 =	vld [tilespmem:s1+$0xFFFFFFF0];
	v62 =	vmul.f32 v42, v41;
	v63 =	vmul.f32 v44, v43  }
0x7b: {  	v26 =	vld [tilespmem:s30+$0x10];
	v47 =	vmul.f32 v46, v45;
	v0 =	vmul.f32 v0, v3  }
0x7c: {  	v27 =	vld [tilespmem:s30+$0x20];
	v1 =	vmul.f32 v1, v5;
	v2 =	vmul.f32 v2, v9  }
0x7d: {  	v44 =	vld [tilespmem:s30+$0x30];
	v9 =	vmul.f32 v19, v11;
	v11 =	vmul.f32 v20, v12  }
0x7e: {  	v3 =	vld [tilespmem:s1+$0xFFFFFFD0];
	v14 =	vmul.f32 v21, v14;
	v6 =	vmul.f32 v22, v6  }
0x7f: {  	v5 =	vld [tilespmem:s23+$0xFFFFFFD0];
	v8 =	vmul.f32 v23, v8;
	v19 =	vmul.f32 v30, v29  }
0x80: {  	v12 =	vld [tilespmem:s1+$0xFFFFFFE0];
	v21 =	vmul.f32 v32, v31;
	v22 =	vmul.f32 v34, v33;
	v2 =	vadd.f32 $0.0e+00, v2  }
0x81: {  	v20 =	vld [tilespmem:s23+$0xFFFFFFF0];
	v24 =	vmul.f32 v48, v24;
	v9 =	vadd.f32 $0.0e+00, v9;
	v11 =	vadd.f32 $0.0e+00, v11  }
0x82: {  	v23 =	vld [tilespmem:s30+$0x0];
	v14 =	vadd.f32 $0.0e+00, v14;
	v22 =	vmul.f32 v61, v22;
	v0 =	vadd.f32 v0, v2  }
0x83: {  	v48 =	vld [tilespmem:s1+$0x40];
	v2 =	vmul.f32 v36, v35;
	v1 =	vadd.f32 v1, v9;
	v6 =	vadd.f32 v6, v11  }
0x84: {  	v11 =	vmul.f32 v49, v16;
	v16 =	vmul.f32 v50, v18;
	v18 =	vld [tilespmem:s23+$0x40];
	v8 =	vadd.f32 v8, v14  }
0x85: {  	v14 =	vmul.f32 v51, v19;
	v19 =	vmul.f32 v53, v52;
	v51 =	vld [tilespmem:s1+$0x50]  }
0x86: {  	v52 =	vmul.f32 v55, v54;
	v54 =	vld [tilespmem:s23+$0x50];
	v0 =	vadd.f32 v1, v0;
	v1 =	vadd.f32 v8, v6  }
0x87: {  	v9 =	vmul.f32 v40, v39;
	v53 =	vmul.f32 v57, v56;
	v56 =	vld [tilespmem:s23+$0x60]  }
0x88: {  	v55 =	vmul.f32 v59, v58;
	v57 =	vmul.f32 v13, v10;
	v58 =	vld [tilespmem:s1+$0x70];
	v0 =	vadd.f32 v1, v0  }
0x89: {  	v10 =	vmul.f32 v27, v63;
	v13 =	vld [tilespmem:s30+$0xFFFFFF50];
	v59 =	vmul.f32 v5, v3  }
0x8a: {  	v3 =	vmul.f32 v20, v17;
	v2 =	vmul.f32 v4, v2;
	v4 =	vld [tilespmem:s30+$0xFFFFFF40];
	(xrf2) =	vadd.scan.msk.f32 $0xffff, v0  }
0x8b: {  	v17 =	vmul.f32 v44, v47;
	v20 =	vld [tilespmem:s30+$0xFFFFFF60];
	v6 =	vmul.f32 v60, v21  }
0x8c: {  	v21 =	vld [tilespmem:s1+$0x60];
	v60 =	vmul.f32 v15, v12;
	v15 =	vadd.f32 $0.0e+00, v24;
	v11 =	vadd.f32 $0.0e+00, v11  }
0x8d: {  	v5 =	vmul.f32 v23, v9;
	v12 =	vld [tilespmem:s23+$0x70];
	v16 =	vadd.f32 $0.0e+00, v16;
	v23 =	vadd.f32 $0.0e+00, v14  }
0x8e: {  	v14 =	vld [tilespmem:s30+$0xFFFFFF70];
	v1 =	vmul.f32 v7, v25;
	v7 =	vmul.f32 v26, v62;
	v61 =	vadd.f32 $0.0e+00, v6  }
0x8f: {  	v2 =	vadd.f32 $0.0e+00, v2;
	v8 =	vmul.f32 v18, v48;
	v6 =	vmul.f32 v4, v19;
	v19 =	vld [tilespmem:s30+$0xFFFFFFC0]  }
0x90: {  	v9 =	vmul.f32 v54, v51;
	v0 =	vadd.f32 $0.0e+00, v22;
	v1 =	vadd.f32 $0.0e+00, v1;
	v22 =	vld [tilespmem:s30+$0xFFFFFFD0]  }
0x91: {  	v63 =	vld [tilespmem:s30+$0xFFFFFFE0];
	v18 =	vmul.f32 v13, v52;
	v4 =	vadd.f32 $0.0e+00, v5;
	v5 =	vadd.f32 $0.0e+00, v7  }
0x92: {  	v13 =	vld [tilespmem:s30+$0xFFFFFFF0];
	v7 =	vadd.f32 $0.0e+00, v17;
	v62 =	vadd.f32 v6, v15;
	v15 =	vmul.f32 v20, v53  }
0x93: {  	v17 =	vadd.f32 v18, v11;
	v6 =	vadd.f32 $0.0e+00, v10;
	v20 =	vmul.f32 v14, v55;
	v14 =	vld [tilespmem:s30+$0x40]  }
0x94: {  	s24 =	simm.s32 $0x18203;
	v10 =	vmul.f32 v56, v21;
	v18 =	vadd.f32 v15, v16;
	v15 =	vld [tilespmem:s30+$0x50];
	v19 =	vmul.f32 v19, v57;
	v21, _, _ =	vpop (xrf2)  }
0x95: {  	v11 =	vmul.f32 v12, v58;
	v20 =	vadd.f32 v20, v23;
	v16 =	vld [tilespmem:s30+$0x60];
	[tilespmem:s24+$0x0] =	vst.msk vm0, v21;
	v21 =	vmul.f32 v22, v59  }
0x96: {  	s25 =	simm.s32 $0x0;
	v12 =	vadd.f32 v17, v62;
	v17 =	vld [tilespmem:s30+$0x70];
	s30 =	simm.s32 $0x8500;
	v19 =	vadd.f32 v19, v61;
	v22 =	vmul.f32 v63, v60  }
.LBB2_2:
0x97: {  	v23 =	vld [tilespmem:s30+$0xC0];
	v18 =	vadd.f32 v20, v18;
	v0 =	vadd.f32 v21, v0;
	v3 =	vmul.f32 v13, v3  }
0x98: {  	v13 =	vld [tilespmem:s30+$0xD0];
	v2 =	vadd.f32 v22, v2;
	v8 =	vmul.f32 v14, v8  }
0x99: {  	s1 =	sadd.s32 $0x200, s1;
	v14 =	vld [tilespmem:s30+$0x80];
	v1 =	vadd.f32 v3, v1;
	v0 =	vadd.f32 v0, v19;
	v3 =	vmul.f32 v15, v9  }
0x9a: {  	s23 =	sadd.s32 $0x200, s23;
	v12 =	vadd.f32 v18, v12;
	v9 =	vld [tilespmem:s1+$0xC0];
	v4 =	vadd.f32 v8, v4;
	v8 =	vmul.f32 v16, v10  }
0x9b: {  	v10 =	vld [tilespmem:s23+$0xC0];
	v1 =	vadd.f32 v1, v2;
	v2 =	vadd.f32 v3, v5;
	v3 =	vmul.f32 v17, v11  }
0x9c: {  	v5 =	vld [tilespmem:s1+$0xD0];
	v6 =	vadd.f32 v8, v6;
	(xrf2) =	vadd.scan.msk.f32 $0xffff, v12  }
0x9d: {  	v8 =	vld [tilespmem:s23+$0xD0];
	v3 =	vadd.f32 v3, v7;
	v2 =	vadd.f32 v2, v4  }
0x9e: {  	v0 =	vadd.f32 v1, v0;
	v4 =	vld [tilespmem:s1+$0xE0]  }
0x9f: {  	v1 =	vld [tilespmem:s23+$0xE0];
	v3 =	vadd.f32 v3, v6  }
0xa0: {  	v6 =	vld [tilespmem:s1+$0xF0];
	(xrf2) =	vadd.scan.msk.f32 $0xffff, v0  }
0xa1: {  	v0 =	vld [tilespmem:s23+$0xF0];
	v2 =	vadd.f32 v3, v2  }
0xa2: {  	v3 =	vld [tilespmem:s1+$0x80]  }
0xa3: {  	v7 =	vld [tilespmem:s23+$0x80];
	(xrf2) =	vadd.scan.msk.f32 $0xffff, v2  }
0xa4: {  	v2 =	vld [tilespmem:s1+$0x90]  }
0xa5: {  	v11 =	vld [tilespmem:s23+$0x90]  }
0xa6: {  	v12 =	vld [tilespmem:s1+$0xA0];
	v15, _, _ =	vpop (xrf2)  }
0xa7: {  	v16 =	vld [tilespmem:s23+$0xA0];
	[tilespmem:s24+$0xFFFFFFFD] =	vst.msk vm0, v15  }
0xa8: {  	v15 =	vld [tilespmem:s1+$0xB0]  }
0xa9: {  	v17 =	vld [tilespmem:s23+$0xB0]  }
0xaa: {  	s25 =	sadd.s32 $0x4, s25;
	v18 =	vld [tilespmem:s30+$0x90];
	v19, _, _ =	vpop (xrf2)  }
0xab: {  	p0 =	slt.u32 s25, $0x7C;
	v9 =	vmul.f32 v10, v9;
	v5 =	vmul.f32 v8, v5;
	v20 =	vld [tilespmem:s30+$0xA0];
	[tilespmem:s24+$0xFFFFFFFE] =	vst.msk vm0, v19  }
0xac: {  	v1 =	vmul.f32 v1, v4;
	v0 =	vmul.f32 v0, v6;
	v8 =	vld [tilespmem:s30+$0xB0]  }
0xad: {  	v3 =	vmul.f32 v7, v3;
	v2 =	vmul.f32 v11, v2;
	v4 =	vld [tilespmem:s30+$0xE0];
	v6, _, _ =	vpop (xrf2)  }
0xae: {  	v7 =	vmul.f32 v16, v12;
	v10 =	vmul.f32 v17, v15;
	v11 =	vld [tilespmem:s30+$0xF0];
	[tilespmem:s24+$0xFFFFFFFF] =	vst.msk vm0, v6  }
0xaf: {  	v9 =	vmul.f32 v23, v9;
	v5 =	vmul.f32 v13, v5;
	v6 =	vld [tilespmem:s23+$0xFFFFFF00]  }
0xb0: {  	v3 =	vmul.f32 v14, v3;
	v2 =	vmul.f32 v18, v2;
	v12 =	vld [tilespmem:s1+$0xFFFFFF10]  }
0xb1: {  	v7 =	vmul.f32 v20, v7;
	v13 =	vld [tilespmem:s23+$0xFFFFFF10];
	v8 =	vmul.f32 v8, v10  }
0xb2: {  	v3 =	vadd.f32 $0.0e+00, v3;
	v2 =	vadd.f32 $0.0e+00, v2;
	v10 =	vld [tilespmem:s1+$0xFFFFFF20];
	v1 =	vmul.f32 v4, v1  }
0xb3: {  	v7 =	vadd.f32 $0.0e+00, v7;
	v4 =	vld [tilespmem:s23+$0xFFFFFF20];
	v8 =	vadd.f32 $0.0e+00, v8;
	v0 =	vmul.f32 v11, v0  }
0xb4: {  	v3 =	vadd.f32 v9, v3;
	v2 =	vadd.f32 v5, v2;
	v11 =	vld [tilespmem:s1+$0xFFFFFF30]  }
0xb5: {  	v1 =	vadd.f32 v1, v7;
	v5 =	vld [tilespmem:s23+$0xFFFFFF30];
	v0 =	vadd.f32 v0, v8  }
0xb6: {  	v7 =	vmul.f32 v13, v12;
	v8 =	vld [tilespmem:s1+$0xFFFFFF80]  }
0xb7: {  	v2 =	vadd.f32 v2, v3;
	v9 =	vld [tilespmem:s23+$0xFFFFFF80];
	v0 =	vadd.f32 v0, v1  }
0xb8: {  	v1 =	vmul.f32 v4, v10;
	v3 =	vld [tilespmem:s1+$0xFFFFFF90]  }
0xb9: {  	v4 =	vld [tilespmem:s23+$0xFFFFFF90];
	v0 =	vadd.f32 v0, v2  }
0xba: {  	v2 =	vmul.f32 v5, v11;
	v5 =	vld [tilespmem:s1+$0xFFFFFFA0]  }
0xbb: {  	v10 =	vld [tilespmem:s23+$0xFFFFFFA0];
	(xrf2) =	vadd.scan.msk.f32 $0xffff, v0  }
0xbc: {  	v0 =	vmul.f32 v9, v8;
	v8 =	vld [tilespmem:s1+$0xFFFFFFB0]  }
0xbd: {  	v9 =	vld [tilespmem:s23+$0xFFFFFFB0]  }
0xbe: {  	v3 =	vmul.f32 v4, v3;
	v4 =	vld [tilespmem:s1+$0x0]  }
0xbf: {  	v11 =	vld [tilespmem:s23+$0x0]  }
0xc0: {  	v5 =	vmul.f32 v10, v5;
	v10 =	vld [tilespmem:s1+$0x10]  }
0xc1: {  	v12 =	vld [tilespmem:s23+$0x10]  }
0xc2: {  	v8 =	vmul.f32 v9, v8;
	v9 =	vld [tilespmem:s1+$0x20]  }
0xc3: {  	v13 =	vld [tilespmem:s23+$0x20]  }
0xc4: {  	v4 =	vmul.f32 v11, v4;
	v11 =	vld [tilespmem:s1+$0x30]  }
0xc5: {  	s24 =	sadd.s32 $0x4, s24;
	v14 =	vld [tilespmem:s23+$0x30];
	v15, _, _ =	vpop (xrf2)  }
0xc6: {  	v16 =	vld [tilespmem:s1+$0xFFFFFF00];
	v10 =	vmul.f32 v12, v10;
	[tilespmem:s24+$0x0] =	vst.msk vm0, v15  }
0xc7: {  	v12 =	vld [tilespmem:s30+$0xFFFFFF00]  }
0xc8: {  	v15 =	vld [tilespmem:s30+$0xFFFFFF10];
	v9 =	vmul.f32 v13, v9  }
0xc9: {  	v13 =	vld [tilespmem:s30+$0xFFFFFF20]  }
0xca: {  	v17 =	vld [tilespmem:s30+$0xFFFFFF30];
	v11 =	vmul.f32 v14, v11  }
0xcb: {  	v6 =	vmul.f32 v6, v16;
	v14 =	vld [tilespmem:s1+$0xFFFFFF40]  }
0xcc: {  	v16 =	vld [tilespmem:s23+$0xFFFFFF40]  }
0xcd: {  	v6 =	vmul.f32 v12, v6;
	v7 =	vmul.f32 v15, v7;
	v12 =	vld [tilespmem:s1+$0xFFFFFF50]  }
0xce: {  	v1 =	vmul.f32 v13, v1;
	v13 =	vld [tilespmem:s23+$0xFFFFFF50]  }
0xcf: {  	v15 =	vadd.f32 $0.0e+00, v6;
	v18 =	vadd.f32 $0.0e+00, v7;
	v2 =	vmul.f32 v17, v2;
	v6 =	vld [tilespmem:s1+$0xFFFFFF60]  }
0xd0: {  	v17 =	vadd.f32 $0.0e+00, v1;
	v1 =	vld [tilespmem:s23+$0xFFFFFF60]  }
0xd1: {  	v19 =	vadd.f32 $0.0e+00, v2;
	v14 =	vmul.f32 v16, v14;
	v2 =	vld [tilespmem:s1+$0xFFFFFF70]  }
0xd2: {  	v7 =	vld [tilespmem:s23+$0xFFFFFF70]  }
0xd3: {  	v12 =	vmul.f32 v13, v12;
	v13 =	vld [tilespmem:s30+$0xFFFFFF80]  }
0xd4: {  	v16 =	vld [tilespmem:s30+$0xFFFFFF90]  }
0xd5: {  	v20 =	vmul.f32 v1, v6;
	v1 =	vld [tilespmem:s30+$0xFFFFFFA0]  }
0xd6: {  	v6 =	vld [tilespmem:s30+$0xFFFFFFB0]  }
0xd7: {  	v21 =	vmul.f32 v7, v2;
	v7 =	vld [tilespmem:s1+$0xFFFFFFC0]  }
0xd8: {  	v0 =	vmul.f32 v13, v0;
	v13 =	vld [tilespmem:s23+$0xFFFFFFC0]  }
0xd9: {  	v2 =	vmul.f32 v16, v3;
	v3 =	vld [tilespmem:s1+$0xFFFFFFD0]  }
0xda: {  	v22 =	vadd.f32 $0.0e+00, v0;
	v1 =	vmul.f32 v1, v5;
	v5 =	vld [tilespmem:s23+$0xFFFFFFD0]  }
0xdb: {  	v0 =	vadd.f32 $0.0e+00, v2;
	v6 =	vmul.f32 v6, v8;
	v8 =	vld [tilespmem:s1+$0xFFFFFFE0]  }
0xdc: {  	v2 =	vadd.f32 $0.0e+00, v1;
	v16 =	vld [tilespmem:s23+$0xFFFFFFE0]  }
0xdd: {  	v1 =	vadd.f32 $0.0e+00, v6;
	v23 =	vmul.f32 v13, v7;
	v6 =	vld [tilespmem:s1+$0xFFFFFFF0]  }
0xde: {  	v7 =	vld [tilespmem:s23+$0xFFFFFFF0]  }
0xdf: {  	v24 =	vmul.f32 v5, v3;
	v5 =	vld [tilespmem:s30+$0x0]  }
0xe0: {  	v13 =	vld [tilespmem:s30+$0x10]  }
0xe1: {  	v25 =	vmul.f32 v16, v8;
	v8 =	vld [tilespmem:s30+$0x20]  }
0xe2: {  	v16 =	vld [tilespmem:s30+$0x30]  }
0xe3: {  	v3 =	vmul.f32 v7, v6;
	v26 =	vld [tilespmem:s1+$0x40]  }
0xe4: {  	v4 =	vmul.f32 v5, v4;
	v27 =	vld [tilespmem:s23+$0x40]  }
0xe5: {  	v5 =	vmul.f32 v13, v10;
	v10 =	vld [tilespmem:s1+$0x50]  }
0xe6: {  	v4 =	vadd.f32 $0.0e+00, v4;
	v6 =	vmul.f32 v8, v9;
	v9 =	vld [tilespmem:s23+$0x50]  }
0xe7: {  	v5 =	vadd.f32 $0.0e+00, v5;
	v7 =	vmul.f32 v16, v11;
	v11 =	vld [tilespmem:s1+$0x60]  }
0xe8: {  	v6 =	vadd.f32 $0.0e+00, v6;
	v13 =	vld [tilespmem:s23+$0x60]  }
0xe9: {  	v7 =	vadd.f32 $0.0e+00, v7;
	v8 =	vmul.f32 v27, v26;
	v16 =	vld [tilespmem:s1+$0x70]  }
0xea: {  	v26 =	vld [tilespmem:s23+$0x70]  }
0xeb: {  	v27 =	vld [tilespmem:s30+$0xFFFFFF40];
	v9 =	vmul.f32 v9, v10  }
0xec: {  	v28 =	vld [tilespmem:s30+$0xFFFFFF50]  }
0xed: {  	v29 =	vld [tilespmem:s30+$0xFFFFFF60];
	v10 =	vmul.f32 v13, v11  }
0xee: {  	v30 =	vld [tilespmem:s30+$0xFFFFFF70]  }
0xef: {  	v31 =	vld [tilespmem:s30+$0xFFFFFFC0];
	v11 =	vmul.f32 v26, v16  }
0xf0: {  	v13 =	vmul.f32 v27, v14;
	v16 =	vld [tilespmem:s30+$0xFFFFFFD0]  }
0xf1: {  	v12 =	vmul.f32 v28, v12;
	v26 =	vld [tilespmem:s30+$0xFFFFFFE0]  }
.Ltmp0:
0xf2: {  	v27 =	vadd.f32 v13, v15;
	v15 =	vmul.f32 v29, v20;
	v13 =	vld [tilespmem:s30+$0xFFFFFFF0];
	(pc) =	sbr.rel @p0 .LBB2_2-.Ltmp0, $4  }
0xf3: {  	v12 =	vadd.f32 v12, v18;
	v20 =	vmul.f32 v30, v21;
	v14 =	vld [tilespmem:s30+$0x40]  }
0xf4: {  	v18 =	vadd.f32 v15, v17;
	v17 =	vmul.f32 v31, v23;
	v15 =	vld [tilespmem:s30+$0x50]  }
0xf5: {  	v20 =	vadd.f32 v20, v19;
	v12 =	vadd.f32 v12, v27;
	v21 =	vmul.f32 v16, v24;
	v16 =	vld [tilespmem:s30+$0x60]  }
0xf6: {  	v19 =	vadd.f32 v17, v22;
	v22 =	vmul.f32 v26, v25;
	v17 =	vld [tilespmem:s30+$0x70];
	s30 =	sadd.s32 $0x200, s30  }
0xf7: {  	_ = 	snop  }
0xf8: {  	v18 =	vadd.f32 v20, v18;
	v3 =	vmul.f32 v13, v3  }
0xf9: {  	v0 =	vadd.f32 v21, v0;
	v2 =	vadd.f32 v22, v2  }
0xfa: {  	v8 =	vmul.f32 v14, v8;
	v1 =	vadd.f32 v3, v1;
	v3 =	vmul.f32 v15, v9  }
0xfb: {  	v0 =	vadd.f32 v0, v19;
	v9 =	vmul.f32 v16, v10;
	v10 =	vmul.f32 v17, v11  }
0xfc: {  	v4 =	vadd.f32 v8, v4;
	v3 =	vadd.f32 v3, v5  }
0xfd: {  	v5 =	vadd.f32 v9, v6;
	v6 =	vadd.f32 v10, v7  }
0xfe: {  	v1 =	vadd.f32 v1, v2;
	v7 =	vadd.f32 v18, v12  }
0xff: {  	v2 =	vadd.f32 v3, v4;
	v3 =	vadd.f32 v6, v5  }
0x100: {  	v0 =	vadd.f32 v1, v0  }
0x101: {  	(xrf2) =	vadd.scan.msk.f32 $0xffff, v7;
	v1 =	vadd.f32 v3, v2  }
0x102: {  	(xrf2) =	vadd.scan.msk.f32 $0xffff, v0  }
0x103: {  	(xrf2) =	vadd.scan.msk.f32 $0xffff, v1;
	_ =	sdelay $0x7  }
0x104: {  	v0, _, _ =	vpop (xrf2)  }
0x105: {  	[tilespmem:s24+$0xFFFFFFFD] =	vst.msk vm0, v0;
	v0, _, _ =	vpop (xrf2)  }
0x106: {  	[tilespmem:s24+$0xFFFFFFFE] =	vst.msk vm0, v0;
	v0, _, _ =	vpop (xrf2)  }
0x107: {  	s1 =	simm.s32 $0x0;
	[tilespmem:s24+$0xFFFFFFFF] =	vst.msk vm0, v0  }
0x108: {  	[hbm4b:s11+s1] =	stream.linear.scatter [tilespmem:s28], [sflag:$0x4], $0x80, $0x38;
	[tilespmem:$0x18400] =	vst v63  }
0x109: {  	_ = 	snop  }
0x10a: {  	[tilespmem:s20], [sflag:$0x2] =	stream.indirect.gather [hbm4b:s2+s17], $0x80, s18, s17, $0xb8;
	[tilespmem:$0x18400] =	vst v63  }
0x10b: {  	_ = 	snop  }
0x10c: {  	[tilespmem:s21], [sflag:$0x2] =	stream.linear.gather [hbm4b:s12+s1], $0x4000, $0x38;
	[tilespmem:$0x18400] =	vst v63  }
0x10d: {  	_ = 	snop  }
0x10e: {  	[tilespmem:s22], [sflag:$0x2] =	stream.linear.gather [hbm4b:s13+s1], $0x4000, $0x38;
	[tilespmem:$0x18400] =	vst v63  }
0x10f: {  	_ =	swait.ge [sflag:s29], $0x4000  }
0x110: {  	[sflag:s29] =	ssyncset.done $0x0  }
0x111: {  	[sflag:s29] =	ssyncadd.s32 $0xFFFFC000  }
0x112: {  	_ =	swait.ge [sflag:s29], $0x4000  }
0x113: {  	[sflag:s29] =	ssyncset.done $0x0  }
0x114: {  	[sflag:s29] =	ssyncadd.s32 $0xFFFFC000  }
0x115: {  	_ =	swait.ge [sflag:s29], $0x4000  }
0x116: {  	[sflag:s29] =	ssyncset.done $0x0  }
0x117: {  	s1 =	simm.s32 $0x0;
	[sflag:s29] =	ssyncadd.s32 $0xFFFFC000  }
0x118: {  	v0 =	vld [tilespmem:s1+$0xC3C0]  }
0x119: {  	v1 =	vld [tilespmem:s1+$0xC3D0]  }
0x11a: {  	v2 =	vld [tilespmem:s1+$0xC380]  }
0x11b: {  	v3 =	vld [tilespmem:s1+$0x43C0]  }
0x11c: {  	v4 =	vld [tilespmem:s1+$0x143C0]  }
0x11d: {  	v5 =	vld [tilespmem:s1+$0x43D0]  }
0x11e: {  	v6 =	vld [tilespmem:s1+$0x143D0]  }
0x11f: {  	v7 =	vld [tilespmem:s1+$0x43E0]  }
0x120: {  	v8 =	vld [tilespmem:s1+$0x143E0]  }
0x121: {  	v9 =	vld [tilespmem:s1+$0x43F0]  }
0x122: {  	v10 =	vld [tilespmem:s1+$0x143F0]  }
0x123: {  	v11 =	vld [tilespmem:s1+$0x4380]  }
0x124: {  	v12 =	vld [tilespmem:s1+$0x14380]  }
0x125: {  	v13 =	vld [tilespmem:s1+$0x4390]  }
0x126: {  	v14 =	vld [tilespmem:s1+$0x14390]  }
0x127: {  	v15 =	vld [tilespmem:s1+$0x43A0]  }
0x128: {  	v16 =	vld [tilespmem:s1+$0x143A0]  }
0x129: {  	v17 =	vld [tilespmem:s1+$0x43B0]  }
0x12a: {  	v18 =	vld [tilespmem:s1+$0x143B0]  }
0x12b: {  	v19 =	vld [tilespmem:s1+$0xC390]  }
0x12c: {  	v20 =	vld [tilespmem:s1+$0xC3A0]  }
0x12d: {  	v21 =	vld [tilespmem:s1+$0xC3B0]  }
0x12e: {  	v22 =	vld [tilespmem:s1+$0xC3E0]  }
0x12f: {  	v23 =	vld [tilespmem:s1+$0xC3F0]  }
0x130: {  	v24 =	vld [tilespmem:s1+$0x4200]  }
0x131: {  	v25 =	vld [tilespmem:s1+$0x14200]  }
0x132: {  	v26 =	vld [tilespmem:s1+$0x4210]  }
0x133: {  	v27 =	vld [tilespmem:s1+$0x14210]  }
0x134: {  	v28 =	vld [tilespmem:s1+$0x4220]  }
0x135: {  	v29 =	vld [tilespmem:s1+$0x14220]  }
0x136: {  	v30 =	vld [tilespmem:s1+$0x4230]  }
0x137: {  	v31 =	vld [tilespmem:s1+$0x14230]  }
0x138: {  	v32 =	vld [tilespmem:s1+$0x4280]  }
0x139: {  	v33 =	vld [tilespmem:s1+$0x14280]  }
0x13a: {  	v34 =	vld [tilespmem:s1+$0x4290]  }
0x13b: {  	v35 =	vld [tilespmem:s1+$0x14290]  }
0x13c: {  	v36 =	vld [tilespmem:s1+$0x42A0]  }
0x13d: {  	v37 =	vld [tilespmem:s1+$0x142A0]  }
0x13e: {  	v38 =	vld [tilespmem:s1+$0x42B0]  }
0x13f: {  	v39 =	vld [tilespmem:s1+$0x142B0]  }
0x140: {  	v40 =	vld [tilespmem:s1+$0x4300]  }
0x141: {  	v41 =	vld [tilespmem:s1+$0x14300]  }
0x142: {  	v42 =	vld [tilespmem:s1+$0x4310]  }
0x143: {  	v43 =	vld [tilespmem:s1+$0x14310]  }
0x144: {  	v44 =	vld [tilespmem:s1+$0x4320]  }
0x145: {  	v45 =	vld [tilespmem:s1+$0x14320]  }
0x146: {  	v46 =	vld [tilespmem:s1+$0x4330]  }
0x147: {  	v47 =	vld [tilespmem:s1+$0x14330]  }
0x148: {  	v48 =	vld [tilespmem:s1+$0xC200]  }
0x149: {  	v49 =	vld [tilespmem:s1+$0xC210]  }
0x14a: {  	v50 =	vld [tilespmem:s1+$0xC220]  }
0x14b: {  	v51 =	vld [tilespmem:s1+$0xC230]  }
0x14c: {  	v52 =	vld [tilespmem:s1+$0x4240]  }
0x14d: {  	v53 =	vld [tilespmem:s1+$0x14240]  }
0x14e: {  	v54 =	vld [tilespmem:s1+$0x4250]  }
0x14f: {  	v55 =	vld [tilespmem:s1+$0x14250]  }
0x150: {  	v56 =	vld [tilespmem:s1+$0x4260]  }
0x151: {  	v57 =	vld [tilespmem:s1+$0x14260]  }
0x152: {  	v58 =	vld [tilespmem:s1+$0x4270]  }
0x153: {  	v59 =	vld [tilespmem:s1+$0x14270]  }
0x154: {  	v60 =	vld [tilespmem:s1+$0xC280]  }
0x155: {  	v61 =	vld [tilespmem:s1+$0xC290];
	v3 =	vmul.f32 v4, v3;
	v4 =	vmul.f32 v6, v5  }
0x156: {  	v62 =	vld [tilespmem:s1+$0xC310];
	v6 =	vmul.f32 v8, v7;
	v7 =	vmul.f32 v10, v9  }
0x157: {  	v5 =	vld [tilespmem:s1+$0xC2A0];
	v9 =	vmul.f32 v12, v11;
	v10 =	vmul.f32 v14, v13  }
0x158: {  	v8 =	vld [tilespmem:s1+$0xC2B0];
	v12 =	vmul.f32 v16, v15;
	v13 =	vmul.f32 v18, v17  }
0x159: {  	v11 =	vld [tilespmem:s1+$0x42C0];
	v16 =	vmul.f32 v25, v24;
	v17 =	vmul.f32 v27, v26  }
0x15a: {  	v14 =	vld [tilespmem:s1+$0x142C0];
	v24 =	vmul.f32 v39, v38;
	v63 =	vmul.f32 v41, v40  }
0x15b: {  	v15 =	vld [tilespmem:s1+$0x142E0];
	v42 =	vmul.f32 v43, v42;
	v45 =	vmul.f32 v45, v44  }
0x15c: {  	v18 =	vld [tilespmem:s1+$0x42F0];
	v46 =	vmul.f32 v47, v46;
	v0 =	vmul.f32 v0, v3  }
0x15d: {  	v43 =	vld [tilespmem:s1+$0xC320];
	v1 =	vmul.f32 v1, v4;
	v2 =	vmul.f32 v2, v9  }
0x15e: {  	v47 =	vld [tilespmem:s1+$0xC330];
	v4 =	vmul.f32 v19, v10;
	v10 =	vmul.f32 v20, v12  }
0x15f: {  	v3 =	vld [tilespmem:s1+$0x42D0];
	v12 =	vmul.f32 v21, v13;
	v6 =	vmul.f32 v22, v6  }
0x160: {  	v9 =	vld [tilespmem:s1+$0x142D0];
	v7 =	vmul.f32 v23, v7;
	v19 =	vmul.f32 v29, v28  }
0x161: {  	v13 =	vld [tilespmem:s1+$0x42E0];
	v22 =	vmul.f32 v35, v34;
	v2 =	vadd.f32 $0.0e+00, v2;
	v4 =	vadd.f32 $0.0e+00, v4  }
0x162: {  	v20 =	vmul.f32 v31, v30;
	v21 =	vld [tilespmem:s1+$0x142F0];
	v10 =	vadd.f32 $0.0e+00, v10;
	v12 =	vadd.f32 $0.0e+00, v12  }
0x163: {  	v23 =	vld [tilespmem:s1+$0xC300];
	v22 =	vmul.f32 v61, v22;
	v0 =	vadd.f32 v0, v2;
	v1 =	vadd.f32 v1, v4  }
0x164: {  	v6 =	vadd.f32 v6, v10;
	v10 =	vmul.f32 v48, v16;
	v16 =	vmul.f32 v49, v17;
	v17 =	vld [tilespmem:s1+$0x4340]  }
0x165: {  	v7 =	vadd.f32 v7, v12;
	v12 =	vmul.f32 v50, v19;
	v19 =	vmul.f32 v51, v20;
	v20 =	vld [tilespmem:s1+$0x14340]  }
0x166: {  	v8 =	vmul.f32 v8, v24;
	v49 =	vmul.f32 v53, v52;
	v53 =	vld [tilespmem:s1+$0x4360]  }
0x167: {  	v50 =	vmul.f32 v55, v54;
	v54 =	vld [tilespmem:s1+$0x14360];
	v0 =	vadd.f32 v1, v0;
	v6 =	vadd.f32 v7, v6  }
0x168: {  	v2 =	vmul.f32 v33, v32;
	v51 =	vmul.f32 v57, v56;
	v57 =	vld [tilespmem:s1+$0x4370]  }
0x169: {  	v56 =	vmul.f32 v9, v3;
	v9 =	vmul.f32 v23, v63;
	v23 =	vld [tilespmem:s1+$0xC250];
	v0 =	vadd.f32 v6, v0  }
0x16a: {  	v4 =	vmul.f32 v37, v36;
	v52 =	vmul.f32 v59, v58;
	v1 =	vld [tilespmem:s1+$0x4350]  }
0x16b: {  	v55 =	vmul.f32 v14, v11;
	v14 =	vmul.f32 v62, v42;
	v7 =	vld [tilespmem:s1+$0x14350];
	(xrf2) =	vadd.scan.msk.f32 $0xffff, v0  }
0x16c: {  	v2 =	vmul.f32 v60, v2;
	v58 =	vadd.f32 $0.0e+00, v10;
	v16 =	vadd.f32 $0.0e+00, v16;
	v60 =	vld [tilespmem:s1+$0xC270]  }
0x16d: {  	v59 =	vadd.f32 $0.0e+00, v12;
	v6 =	vmul.f32 v5, v4;
	v5 =	vmul.f32 v15, v13;
	v15 =	vld [tilespmem:s1+$0xC240]  }
0x16e: {  	v19 =	vadd.f32 $0.0e+00, v19;
	v4 =	vmul.f32 v21, v18;
	v10 =	vmul.f32 v20, v17;
	v20 =	vld [tilespmem:s1+$0xC260]  }
0x16f: {  	v13 =	vld [tilespmem:s1+$0x14370];
	v18 =	vmul.f32 v43, v45;
	v21 =	vmul.f32 v47, v46;
	v3 =	vadd.f32 $0.0e+00, v2  }
0x170: {  	v12 =	vmul.f32 v54, v53;
	v0 =	vadd.f32 $0.0e+00, v22;
	v22 =	vld [tilespmem:s1+$0xC2C0];
	v2 =	vadd.f32 $0.0e+00, v6  }
0x171: {  	v61 =	vld [tilespmem:s1+$0xC2D0];
	v6 =	vadd.f32 $0.0e+00, v14;
	v23 =	vmul.f32 v23, v50;
	v11 =	vmul.f32 v7, v1  }
0x172: {  	v17 =	vld [tilespmem:s1+$0xC2E0];
	v1 =	vadd.f32 $0.0e+00, v8;
	v7 =	vadd.f32 $0.0e+00, v9;
	v15 =	vmul.f32 v15, v49  }
0x173: {  	v14 =	vld [tilespmem:s1+$0xC2F0];
	v9 =	vadd.f32 $0.0e+00, v18;
	v8 =	vadd.f32 $0.0e+00, v21;
	v18 =	vmul.f32 v20, v51  }
0x174: {  	v62 =	vmul.f32 v60, v52;
	v23 =	vadd.f32 v23, v16;
	v16 =	vld [tilespmem:s1+$0xC340];
	v15 =	vadd.f32 v15, v58  }
0x175: {  	s23 =	simm.s32 $0x18283;
	v13 =	vmul.f32 v13, v57;
	v21 =	vmul.f32 v22, v55;
	v20 =	vadd.f32 v18, v59;
	v18 =	vld [tilespmem:s1+$0xC350];
	v63, _, _ =	vpop (xrf2)  }
0x176: {  	s25 =	simm.s32 $0x800;
	s24 =	simm.s32 $0x0;
	v22 =	vadd.f32 v62, v19;
	v19 =	vld [tilespmem:s1+$0xC360];
	v15 =	vadd.f32 v23, v15;
	v23 =	vmul.f32 v61, v56;
	[tilespmem:s23+$0x0] =	vst.msk vm0, v63  }
.LBB2_4:
0x177: {  	v3 =	vadd.f32 v21, v3;
	v5 =	vmul.f32 v17, v5;
	v17 =	vld [tilespmem:s1+$0xC370];
	s1 =	sshra.s32 s25, $0x2  }
0x178: {  	v21 =	vld [tilespmem:s1+$0xC3C0];
	v20 =	vadd.f32 v22, v20;
	v0 =	vadd.f32 v23, v0;
	v4 =	vmul.f32 v14, v4  }
0x179: {  	v14 =	vld [tilespmem:s1+$0xC3D0];
	v2 =	vadd.f32 v5, v2;
	v5 =	vmul.f32 v16, v10  }
0x17a: {  	v10 =	vld [tilespmem:s1+$0xC380];
	v1 =	vadd.f32 v4, v1;
	v0 =	vadd.f32 v0, v3;
	v3 =	vmul.f32 v18, v11  }
0x17b: {  	v11 =	vadd.f32 v20, v15;
	v4 =	vld [tilespmem:s1+$0x43C0];
	v5 =	vadd.f32 v5, v7;
	v7 =	vmul.f32 v19, v12  }
0x17c: {  	v12 =	vld [tilespmem:s1+$0x143C0];
	v1 =	vadd.f32 v1, v2;
	v2 =	vadd.f32 v3, v6;
	v3 =	vmul.f32 v17, v13  }
0x17d: {  	v6 =	vld [tilespmem:s1+$0x43D0];
	v7 =	vadd.f32 v7, v9;
	(xrf2) =	vadd.scan.msk.f32 $0xffff, v11  }
0x17e: {  	v9 =	vld [tilespmem:s1+$0x143D0];
	v3 =	vadd.f32 v3, v8;
	v2 =	vadd.f32 v2, v5  }
0x17f: {  	v0 =	vadd.f32 v1, v0;
	v5 =	vld [tilespmem:s1+$0x43E0]  }
0x180: {  	v1 =	vld [tilespmem:s1+$0x143E0];
	v3 =	vadd.f32 v3, v7  }
0x181: {  	v7 =	vld [tilespmem:s1+$0x43F0];
	(xrf2) =	vadd.scan.msk.f32 $0xffff, v0  }
0x182: {  	v0 =	vld [tilespmem:s1+$0x143F0];
	v2 =	vadd.f32 v3, v2  }
0x183: {  	v3 =	vld [tilespmem:s1+$0x4380]  }
0x184: {  	v8 =	vld [tilespmem:s1+$0x14380];
	(xrf2) =	vadd.scan.msk.f32 $0xffff, v2  }
0x185: {  	v2 =	vld [tilespmem:s1+$0x4390]  }
0x186: {  	v11 =	vld [tilespmem:s1+$0x14390]  }
0x187: {  	v13 =	vld [tilespmem:s1+$0x43A0];
	v15, _, _ =	vpop (xrf2)  }
0x188: {  	v16 =	vld [tilespmem:s1+$0x143A0];
	[tilespmem:s23+$0xFFFFFFFD] =	vst.msk vm0, v15  }
0x189: {  	v15 =	vld [tilespmem:s1+$0x43B0]  }
0x18a: {  	s24 =	sadd.s32 $0x4, s24;
	v17 =	vld [tilespmem:s1+$0x143B0]  }
0x18b: {  	p0 =	slt.u32 s24, $0x7C;
	v18 =	vld [tilespmem:s1+$0xC390];
	v19, _, _ =	vpop (xrf2)  }
0x18c: {  	v4 =	vmul.f32 v12, v4;
	v6 =	vmul.f32 v9, v6;
	v20 =	vld [tilespmem:s1+$0xC3A0];
	[tilespmem:s23+$0xFFFFFFFE] =	vst.msk vm0, v19  }
0x18d: {  	v1 =	vmul.f32 v1, v5;
	v0 =	vmul.f32 v0, v7;
	v9 =	vld [tilespmem:s1+$0xC3B0]  }
0x18e: {  	v3 =	vmul.f32 v8, v3;
	v2 =	vmul.f32 v11, v2;
	v5 =	vld [tilespmem:s1+$0xC3E0];
	v7, _, _ =	vpop (xrf2)  }
0x18f: {  	v8 =	vmul.f32 v16, v13;
	v11 =	vmul.f32 v17, v15;
	v12 =	vld [tilespmem:s1+$0xC3F0];
	[tilespmem:s23+$0xFFFFFFFF] =	vst.msk vm0, v7  }
0x190: {  	v4 =	vmul.f32 v21, v4;
	v6 =	vmul.f32 v14, v6;
	v7 =	vld [tilespmem:s1+$0x4200]  }
0x191: {  	v3 =	vmul.f32 v10, v3;
	v2 =	vmul.f32 v18, v2;
	v13 =	vld [tilespmem:s1+$0x14200]  }
0x192: {  	v8 =	vmul.f32 v20, v8;
	v10 =	vld [tilespmem:s1+$0x4210];
	v9 =	vmul.f32 v9, v11  }
0x193: {  	v3 =	vadd.f32 $0.0e+00, v3;
	v2 =	vadd.f32 $0.0e+00, v2;
	v11 =	vld [tilespmem:s1+$0x14210];
	v1 =	vmul.f32 v5, v1  }
0x194: {  	v8 =	vadd.f32 $0.0e+00, v8;
	v5 =	vld [tilespmem:s1+$0x4220];
	v9 =	vadd.f32 $0.0e+00, v9;
	v0 =	vmul.f32 v12, v0  }
0x195: {  	v3 =	vadd.f32 v4, v3;
	v2 =	vadd.f32 v6, v2;
	v12 =	vld [tilespmem:s1+$0x14220]  }
0x196: {  	v1 =	vadd.f32 v1, v8;
	v4 =	vmul.f32 v13, v7;
	v6 =	vld [tilespmem:s1+$0x4230];
	v0 =	vadd.f32 v0, v9  }
0x197: {  	v7 =	vld [tilespmem:s1+$0x14230]  }
0x198: {  	v2 =	vadd.f32 v2, v3;
	v8 =	vmul.f32 v11, v10;
	v9 =	vld [tilespmem:s1+$0x4280];
	v0 =	vadd.f32 v0, v1  }
0x199: {  	v1 =	vld [tilespmem:s1+$0x14280]  }
0x19a: {  	v3 =	vmul.f32 v12, v5;
	v5 =	vld [tilespmem:s1+$0x4290];
	v0 =	vadd.f32 v0, v2  }
0x19b: {  	v2 =	vld [tilespmem:s1+$0x14290]  }
0x19c: {  	v6 =	vmul.f32 v7, v6;
	v7 =	vld [tilespmem:s1+$0x42A0];
	(xrf2) =	vadd.scan.msk.f32 $0xffff, v0  }
0x19d: {  	v0 =	vld [tilespmem:s1+$0x142A0]  }
0x19e: {  	v1 =	vmul.f32 v1, v9;
	v9 =	vld [tilespmem:s1+$0x42B0]  }
0x19f: {  	v10 =	vld [tilespmem:s1+$0x142B0]  }
0x1a0: {  	v2 =	vmul.f32 v2, v5;
	v5 =	vld [tilespmem:s1+$0x4300]  }
0x1a1: {  	v11 =	vld [tilespmem:s1+$0x14300]  }
0x1a2: {  	v0 =	vmul.f32 v0, v7;
	v7 =	vld [tilespmem:s1+$0x4310]  }
0x1a3: {  	v12 =	vld [tilespmem:s1+$0x14310]  }
0x1a4: {  	v9 =	vmul.f32 v10, v9;
	v10 =	vld [tilespmem:s1+$0x4320]  }
0x1a5: {  	v13 =	vld [tilespmem:s1+$0x14320]  }
0x1a6: {  	s23 =	sadd.s32 $0x4, s23;
	v11 =	vmul.f32 v11, v5;
	v5 =	vld [tilespmem:s1+$0x4330];
	v14, _, _ =	vpop (xrf2)  }
0x1a7: {  	v15 =	vld [tilespmem:s1+$0x14330];
	[tilespmem:s23+$0x0] =	vst.msk vm0, v14  }
0x1a8: {  	v14 =	vld [tilespmem:s1+$0xC200];
	v7 =	vmul.f32 v12, v7  }
0x1a9: {  	v12 =	vld [tilespmem:s1+$0xC210]  }
0x1aa: {  	v16 =	vld [tilespmem:s1+$0xC220];
	v10 =	vmul.f32 v13, v10  }
0x1ab: {  	v13 =	vld [tilespmem:s1+$0xC230]  }
0x1ac: {  	v17 =	vld [tilespmem:s1+$0x4240];
	v15 =	vmul.f32 v15, v5  }
0x1ad: {  	v4 =	vmul.f32 v14, v4;
	v5 =	vld [tilespmem:s1+$0x14240]  }
0x1ae: {  	v8 =	vmul.f32 v12, v8;
	v12 =	vld [tilespmem:s1+$0x4250]  }
0x1af: {  	v14 =	vadd.f32 $0.0e+00, v4;
	v3 =	vmul.f32 v16, v3;
	v4 =	vld [tilespmem:s1+$0x14250]  }
0x1b0: {  	v16 =	vadd.f32 $0.0e+00, v8;
	v6 =	vmul.f32 v13, v6;
	v8 =	vld [tilespmem:s1+$0x4260]  }
0x1b1: {  	v18 =	vadd.f32 $0.0e+00, v3;
	v3 =	vld [tilespmem:s1+$0x14260]  }
0x1b2: {  	v19 =	vadd.f32 $0.0e+00, v6;
	v17 =	vmul.f32 v5, v17;
	v5 =	vld [tilespmem:s1+$0x4270]  }
0x1b3: {  	v6 =	vld [tilespmem:s1+$0x14270]  }
0x1b4: {  	v20 =	vmul.f32 v4, v12;
	v4 =	vld [tilespmem:s1+$0xC280]  }
0x1b5: {  	v12 =	vld [tilespmem:s1+$0xC290]  }
0x1b6: {  	v21 =	vmul.f32 v3, v8;
	v8 =	vld [tilespmem:s1+$0xC2A0]  }
0x1b7: {  	v13 =	vld [tilespmem:s1+$0xC2B0]  }
0x1b8: {  	v22 =	vmul.f32 v6, v5;
	v5 =	vld [tilespmem:s1+$0x42C0]  }
0x1b9: {  	v1 =	vmul.f32 v4, v1;
	v4 =	vld [tilespmem:s1+$0x142C0]  }
0x1ba: {  	v2 =	vmul.f32 v12, v2;
	v6 =	vld [tilespmem:s1+$0x42D0]  }
0x1bb: {  	v3 =	vadd.f32 $0.0e+00, v1;
	v1 =	vmul.f32 v8, v0;
	v8 =	vld [tilespmem:s1+$0x142D0]  }
0x1bc: {  	v0 =	vadd.f32 $0.0e+00, v2;
	v9 =	vmul.f32 v13, v9;
	v12 =	vld [tilespmem:s1+$0x42E0]  }
0x1bd: {  	v2 =	vadd.f32 $0.0e+00, v1;
	v13 =	vld [tilespmem:s1+$0x142E0]  }
0x1be: {  	v1 =	vadd.f32 $0.0e+00, v9;
	v23 =	vmul.f32 v4, v5;
	v4 =	vld [tilespmem:s1+$0x42F0]  }
0x1bf: {  	v9 =	vld [tilespmem:s1+$0x142F0]  }
0x1c0: {  	v24 =	vmul.f32 v8, v6;
	v6 =	vld [tilespmem:s1+$0xC300]  }
0x1c1: {  	v8 =	vld [tilespmem:s1+$0xC310]  }
0x1c2: {  	v5 =	vmul.f32 v13, v12;
	v12 =	vld [tilespmem:s1+$0xC320]  }
0x1c3: {  	v13 =	vld [tilespmem:s1+$0xC330]  }
0x1c4: {  	v4 =	vmul.f32 v9, v4;
	v25 =	vld [tilespmem:s1+$0x4340]  }
0x1c5: {  	v6 =	vmul.f32 v6, v11;
	v11 =	vld [tilespmem:s1+$0x14340]  }
0x1c6: {  	v8 =	vmul.f32 v8, v7;
	v26 =	vld [tilespmem:s1+$0x4350]  }
0x1c7: {  	v7 =	vadd.f32 $0.0e+00, v6;
	v9 =	vmul.f32 v12, v10;
	v12 =	vld [tilespmem:s1+$0x14350]  }
0x1c8: {  	v6 =	vadd.f32 $0.0e+00, v8;
	v8 =	vmul.f32 v13, v15;
	v13 =	vld [tilespmem:s1+$0x4360]  }
0x1c9: {  	v9 =	vadd.f32 $0.0e+00, v9;
	v15 =	vld [tilespmem:s1+$0x14360]  }
0x1ca: {  	v8 =	vadd.f32 $0.0e+00, v8;
	v10 =	vmul.f32 v11, v25;
	v25 =	vld [tilespmem:s1+$0x4370]  }
0x1cb: {  	v27 =	vld [tilespmem:s1+$0x14370]  }
0x1cc: {  	v28 =	vld [tilespmem:s1+$0xC240];
	v11 =	vmul.f32 v12, v26  }
0x1cd: {  	v26 =	vld [tilespmem:s1+$0xC250]  }
0x1ce: {  	v29 =	vld [tilespmem:s1+$0xC260];
	v12 =	vmul.f32 v15, v13  }
0x1cf: {  	v15 =	vld [tilespmem:s1+$0xC270]  }
0x1d0: {  	v30 =	vld [tilespmem:s1+$0xC2C0];
	v13 =	vmul.f32 v27, v25  }
0x1d1: {  	v25 =	vmul.f32 v28, v17;
	v27 =	vld [tilespmem:s1+$0xC2D0]  }
.Ltmp1:
0x1d2: {  	v20 =	vmul.f32 v26, v20;
	v17 =	vld [tilespmem:s1+$0xC2E0];
	(pc) =	sbr.rel @p0 .LBB2_4-.Ltmp1, $4  }
0x1d3: {  	v25 =	vadd.f32 v25, v14;
	v21 =	vmul.f32 v29, v21;
	v14 =	vld [tilespmem:s1+$0xC2F0]  }
0x1d4: {  	v26 =	vadd.f32 v20, v16;
	v15 =	vmul.f32 v15, v22;
	v16 =	vld [tilespmem:s1+$0xC340]  }
0x1d5: {  	v20 =	vadd.f32 v21, v18;
	v21 =	vmul.f32 v30, v23;
	v18 =	vld [tilespmem:s1+$0xC350]  }
0x1d6: {  	s25 =	sadd.s32 $0x800, s25;
	v22 =	vadd.f32 v15, v19;
	v15 =	vadd.f32 v26, v25;
	v23 =	vmul.f32 v27, v24;
	v19 =	vld [tilespmem:s1+$0xC360]  }
0x1d7: {  	v24 =	vld [tilespmem:s1+$0xC370]  }
0x1d8: {  	v5 =	vmul.f32 v17, v5  }
0x1d9: {  	v3 =	vadd.f32 v21, v3;
	v17 =	vadd.f32 v22, v20;
	v4 =	vmul.f32 v14, v4  }
0x1da: {  	v0 =	vadd.f32 v23, v0;
	v2 =	vadd.f32 v5, v2  }
0x1db: {  	v5 =	vmul.f32 v16, v10;
	v1 =	vadd.f32 v4, v1;
	v4 =	vmul.f32 v18, v11  }
0x1dc: {  	v0 =	vadd.f32 v0, v3;
	v3 =	vmul.f32 v19, v12;
	v10 =	vmul.f32 v24, v13  }
0x1dd: {  	v5 =	vadd.f32 v5, v7;
	v4 =	vadd.f32 v4, v6  }
0x1de: {  	v3 =	vadd.f32 v3, v9;
	v6 =	vadd.f32 v10, v8  }
0x1df: {  	v7 =	vadd.f32 v17, v15;
	v1 =	vadd.f32 v1, v2  }
0x1e0: {  	v2 =	vadd.f32 v4, v5;
	v3 =	vadd.f32 v6, v3  }
0x1e1: {  	v0 =	vadd.f32 v1, v0  }
0x1e2: {  	(xrf2) =	vadd.scan.msk.f32 $0xffff, v7;
	v1 =	vadd.f32 v3, v2  }
0x1e3: {  	(xrf2) =	vadd.scan.msk.f32 $0xffff, v0  }
0x1e4: {  	(xrf2) =	vadd.scan.msk.f32 $0xffff, v1;
	_ =	sdelay $0x7  }
0x1e5: {  	v0, _, _ =	vpop (xrf2)  }
0x1e6: {  	[tilespmem:s23+$0xFFFFFFFD] =	vst.msk vm0, v0;
	v0, _, _ =	vpop (xrf2)  }
0x1e7: {  	[tilespmem:s23+$0xFFFFFFFE] =	vst.msk vm0, v0;
	v0, _, _ =	vpop (xrf2)  }
0x1e8: {  	s25 =	simm.s32 $0x18280;
	[tilespmem:s23+$0xFFFFFFFF] =	vst.msk vm0, v0  }
0x1e9: {  	[hbm4b:s14+s3] =	stream.linear.scatter [tilespmem:s25], [sflag:$0x4], $0x80, $0x38;
	[tilespmem:$0x18400] =	vst v63  }
0x1ea: {  	_ =	swait.ge [sflag:s26], $0x4000  }
0x1eb: {  	[sflag:s26] =	ssyncset.done $0x0  }
0x1ec: {  	[sflag:s26] =	ssyncadd.s32 $0xFFFFC000  }
0x1ed: {  	_ =	swait.ge [sflag:s26], $0x4000  }
0x1ee: {  	[sflag:s26] =	ssyncset.done $0x0  }
0x1ef: {  	[sflag:s26] =	ssyncadd.s32 $0xFFFFC000  }
0x1f0: {  	_ =	swait.ge [sflag:s26], $0x4000  }
0x1f1: {  	[sflag:s26] =	ssyncset.done $0x0  }
0x1f2: {  	[sflag:s26] =	ssyncadd.s32 $0xFFFFC000  }
0x1f3: {  	_ =	swait.ge [sflag:s31], $0x80  }
0x1f4: {  	[sflag:s31] =	ssyncset.done $0x0  }
0x1f5: {  	s30 =	simm.s32 $0x8300;
	[sflag:s31] =	ssyncadd.s32 $0xFFFFFF80  }
0x1f6: {  	v0 =	vld [tilespmem:s30+$0xC0]  }
0x1f7: {  	v1 =	vld [tilespmem:s30+$0xD0]  }
0x1f8: {  	s1 =	simm.s32 $0x300;
	v2 =	vld [tilespmem:s30+$0x80]  }
0x1f9: {  	s23 =	simm.s32 $0x10300;
	v3 =	vld [tilespmem:s1+$0xC0]  }
0x1fa: {  	v4 =	vld [tilespmem:s23+$0xC0]  }
0x1fb: {  	v5 =	vld [tilespmem:s1+$0xD0]  }
0x1fc: {  	v6 =	vld [tilespmem:s23+$0xD0]  }
0x1fd: {  	v7 =	vld [tilespmem:s1+$0xE0]  }
0x1fe: {  	v8 =	vld [tilespmem:s23+$0xE0]  }
0x1ff: {  	v9 =	vld [tilespmem:s1+$0xF0]  }
0x200: {  	v10 =	vld [tilespmem:s23+$0xF0]  }
0x201: {  	v11 =	vld [tilespmem:s1+$0x80]  }
0x202: {  	v12 =	vld [tilespmem:s23+$0x80]  }
0x203: {  	v13 =	vld [tilespmem:s1+$0x90]  }
0x204: {  	v14 =	vld [tilespmem:s23+$0x90]  }
0x205: {  	v15 =	vld [tilespmem:s1+$0xA0]  }
0x206: {  	v16 =	vld [tilespmem:s23+$0xA0]  }
0x207: {  	v17 =	vld [tilespmem:s1+$0xB0]  }
0x208: {  	v18 =	vld [tilespmem:s23+$0xB0]  }
0x209: {  	v19 =	vld [tilespmem:s30+$0x90]  }
0x20a: {  	v20 =	vld [tilespmem:s30+$0xA0]  }
0x20b: {  	v21 =	vld [tilespmem:s30+$0xB0]  }
0x20c: {  	v22 =	vld [tilespmem:s30+$0xE0]  }
0x20d: {  	v23 =	vld [tilespmem:s30+$0xF0]  }
0x20e: {  	v24 =	vld [tilespmem:s23+$0xFFFFFF00]  }
0x20f: {  	v25 =	vld [tilespmem:s1+$0xFFFFFF10]  }
0x210: {  	v26 =	vld [tilespmem:s23+$0xFFFFFF10]  }
0x211: {  	v27 =	vld [tilespmem:s1+$0xFFFFFF20]  }
0x212: {  	v28 =	vld [tilespmem:s23+$0xFFFFFF20]  }
0x213: {  	v29 =	vld [tilespmem:s1+$0xFFFFFF30]  }
0x214: {  	v30 =	vld [tilespmem:s23+$0xFFFFFF30]  }
0x215: {  	v31 =	vld [tilespmem:s1+$0xFFFFFF80]  }
0x216: {  	v32 =	vld [tilespmem:s23+$0xFFFFFF80]  }
0x217: {  	v33 =	vld [tilespmem:s1+$0xFFFFFF90]  }
0x218: {  	v34 =	vld [tilespmem:s23+$0xFFFFFF90]  }
0x219: {  	v35 =	vld [tilespmem:s1+$0xFFFFFFA0]  }
0x21a: {  	v36 =	vld [tilespmem:s23+$0xFFFFFFA0]  }
0x21b: {  	v37 =	vld [tilespmem:s1+$0xFFFFFFB0]  }
0x21c: {  	v38 =	vld [tilespmem:s23+$0xFFFFFFB0]  }
0x21d: {  	v39 =	vld [tilespmem:s1+$0x0]  }
0x21e: {  	v40 =	vld [tilespmem:s23+$0x0]  }
0x21f: {  	v41 =	vld [tilespmem:s1+$0x10]  }
0x220: {  	v42 =	vld [tilespmem:s23+$0x10]  }
0x221: {  	v43 =	vld [tilespmem:s1+$0x20]  }
0x222: {  	v44 =	vld [tilespmem:s23+$0x20]  }
0x223: {  	v45 =	vld [tilespmem:s1+$0x30]  }
0x224: {  	v46 =	vld [tilespmem:s23+$0x30]  }
0x225: {  	v47 =	vld [tilespmem:s1+$0xFFFFFF00]  }
0x226: {  	v48 =	vld [tilespmem:s30+$0xFFFFFF00]  }
0x227: {  	v49 =	vld [tilespmem:s30+$0xFFFFFF10]  }
0x228: {  	v50 =	vld [tilespmem:s30+$0xFFFFFF20]  }
0x229: {  	v51 =	vld [tilespmem:s30+$0xFFFFFF30]  }
0x22a: {  	v52 =	vld [tilespmem:s1+$0xFFFFFF40]  }
0x22b: {  	v53 =	vld [tilespmem:s23+$0xFFFFFF40]  }
0x22c: {  	v54 =	vld [tilespmem:s1+$0xFFFFFF50]  }
0x22d: {  	v55 =	vld [tilespmem:s23+$0xFFFFFF50]  }
0x22e: {  	v56 =	vld [tilespmem:s1+$0xFFFFFF60]  }
0x22f: {  	v57 =	vld [tilespmem:s23+$0xFFFFFF60]  }
0x230: {  	v58 =	vld [tilespmem:s1+$0xFFFFFF70]  }
0x231: {  	v59 =	vld [tilespmem:s23+$0xFFFFFF70]  }
0x232: {  	v60 =	vld [tilespmem:s30+$0xFFFFFF80]  }
0x233: {  	v61 =	vld [tilespmem:s30+$0xFFFFFF90];
	v3 =	vmul.f32 v4, v3;
	v5 =	vmul.f32 v6, v5  }
0x234: {  	v4 =	vld [tilespmem:s30+$0xFFFFFFA0];
	v6 =	vmul.f32 v8, v7;
	v8 =	vmul.f32 v10, v9  }
0x235: {  	v7 =	vld [tilespmem:s30+$0xFFFFFFB0];
	v9 =	vmul.f32 v12, v11;
	v11 =	vmul.f32 v14, v13  }
0x236: {  	v10 =	vld [tilespmem:s1+$0xFFFFFFC0];
	v12 =	vmul.f32 v16, v15;
	v14 =	vmul.f32 v18, v17  }
0x237: {  	v13 =	vld [tilespmem:s23+$0xFFFFFFC0];
	v16 =	vmul.f32 v26, v25;
	v18 =	vmul.f32 v28, v27  }
0x238: {  	v15 =	vld [tilespmem:s23+$0xFFFFFFE0];
	v25 =	vmul.f32 v38, v37;
	v24 =	vmul.f32 v24, v47  }
0x239: {  	v17 =	vld [tilespmem:s1+$0xFFFFFFF0];
	v62 =	vmul.f32 v42, v41;
	v63 =	vmul.f32 v44, v43  }
0x23a: {  	v26 =	vld [tilespmem:s30+$0x10];
	v47 =	vmul.f32 v46, v45;
	v0 =	vmul.f32 v0, v3  }
0x23b: {  	v27 =	vld [tilespmem:s30+$0x20];
	v1 =	vmul.f32 v1, v5;
	v2 =	vmul.f32 v2, v9  }
0x23c: {  	v44 =	vld [tilespmem:s30+$0x30];
	v9 =	vmul.f32 v19, v11;
	v11 =	vmul.f32 v20, v12  }
0x23d: {  	v3 =	vld [tilespmem:s1+$0xFFFFFFD0];
	v14 =	vmul.f32 v21, v14;
	v6 =	vmul.f32 v22, v6  }
0x23e: {  	v5 =	vld [tilespmem:s23+$0xFFFFFFD0];
	v8 =	vmul.f32 v23, v8;
	v19 =	vmul.f32 v30, v29  }
0x23f: {  	v12 =	vld [tilespmem:s1+$0xFFFFFFE0];
	v21 =	vmul.f32 v32, v31;
	v22 =	vmul.f32 v34, v33;
	v2 =	vadd.f32 $0.0e+00, v2  }
0x240: {  	v20 =	vld [tilespmem:s23+$0xFFFFFFF0];
	v24 =	vmul.f32 v48, v24;
	v9 =	vadd.f32 $0.0e+00, v9;
	v11 =	vadd.f32 $0.0e+00, v11  }
0x241: {  	v23 =	vld [tilespmem:s30+$0x0];
	v14 =	vadd.f32 $0.0e+00, v14;
	v22 =	vmul.f32 v61, v22;
	v0 =	vadd.f32 v0, v2  }
0x242: {  	v48 =	vld [tilespmem:s1+$0x40];
	v2 =	vmul.f32 v36, v35;
	v1 =	vadd.f32 v1, v9;
	v6 =	vadd.f32 v6, v11  }
0x243: {  	v11 =	vmul.f32 v49, v16;
	v16 =	vmul.f32 v50, v18;
	v18 =	vld [tilespmem:s23+$0x40];
	v8 =	vadd.f32 v8, v14  }
0x244: {  	v14 =	vmul.f32 v51, v19;
	v19 =	vmul.f32 v53, v52;
	v51 =	vld [tilespmem:s1+$0x50]  }
0x245: {  	v52 =	vmul.f32 v55, v54;
	v54 =	vld [tilespmem:s23+$0x50];
	v0 =	vadd.f32 v1, v0;
	v1 =	vadd.f32 v8, v6  }
0x246: {  	v9 =	vmul.f32 v40, v39;
	v53 =	vmul.f32 v57, v56;
	v56 =	vld [tilespmem:s23+$0x60]  }
0x247: {  	v55 =	vmul.f32 v59, v58;
	v57 =	vmul.f32 v13, v10;
	v58 =	vld [tilespmem:s1+$0x70];
	v0 =	vadd.f32 v1, v0  }
0x248: {  	v10 =	vmul.f32 v27, v63;
	v13 =	vld [tilespmem:s30+$0xFFFFFF50];
	v59 =	vmul.f32 v5, v3  }
0x249: {  	v3 =	vmul.f32 v20, v17;
	v2 =	vmul.f32 v4, v2;
	v4 =	vld [tilespmem:s30+$0xFFFFFF40];
	(xrf2) =	vadd.scan.msk.f32 $0xffff, v0  }
0x24a: {  	v17 =	vmul.f32 v44, v47;
	v20 =	vld [tilespmem:s30+$0xFFFFFF60];
	v6 =	vmul.f32 v60, v21  }
0x24b: {  	v21 =	vld [tilespmem:s1+$0x60];
	v60 =	vmul.f32 v15, v12;
	v15 =	vadd.f32 $0.0e+00, v24;
	v11 =	vadd.f32 $0.0e+00, v11  }
0x24c: {  	v5 =	vmul.f32 v23, v9;
	v12 =	vld [tilespmem:s23+$0x70];
	v16 =	vadd.f32 $0.0e+00, v16;
	v23 =	vadd.f32 $0.0e+00, v14  }
0x24d: {  	v14 =	vld [tilespmem:s30+$0xFFFFFF70];
	v1 =	vmul.f32 v7, v25;
	v7 =	vmul.f32 v26, v62;
	v61 =	vadd.f32 $0.0e+00, v6  }
0x24e: {  	v2 =	vadd.f32 $0.0e+00, v2;
	v8 =	vmul.f32 v18, v48;
	v6 =	vmul.f32 v4, v19;
	v19 =	vld [tilespmem:s30+$0xFFFFFFC0]  }
0x24f: {  	v9 =	vmul.f32 v54, v51;
	v0 =	vadd.f32 $0.0e+00, v22;
	v1 =	vadd.f32 $0.0e+00, v1;
	v22 =	vld [tilespmem:s30+$0xFFFFFFD0]  }
0x250: {  	v63 =	vld [tilespmem:s30+$0xFFFFFFE0];
	v18 =	vmul.f32 v13, v52;
	v4 =	vadd.f32 $0.0e+00, v5;
	v5 =	vadd.f32 $0.0e+00, v7  }
0x251: {  	v13 =	vld [tilespmem:s30+$0xFFFFFFF0];
	v7 =	vadd.f32 $0.0e+00, v17;
	v62 =	vadd.f32 v6, v15;
	v15 =	vmul.f32 v20, v53  }
0x252: {  	v17 =	vadd.f32 v18, v11;
	v6 =	vadd.f32 $0.0e+00, v10;
	v20 =	vmul.f32 v14, v55;
	v14 =	vld [tilespmem:s30+$0x40]  }
0x253: {  	s24 =	simm.s32 $0x18203;
	v10 =	vmul.f32 v56, v21;
	v18 =	vadd.f32 v15, v16;
	v15 =	vld [tilespmem:s30+$0x50];
	v19 =	vmul.f32 v19, v57;
	v21, _, _ =	vpop (xrf2)  }
0x254: {  	v11 =	vmul.f32 v12, v58;
	v20 =	vadd.f32 v20, v23;
	v16 =	vld [tilespmem:s30+$0x60];
	[tilespmem:s24+$0x0] =	vst.msk vm0, v21;
	v21 =	vmul.f32 v22, v59  }
0x255: {  	s25 =	simm.s32 $0x0;
	v12 =	vadd.f32 v17, v62;
	v17 =	vld [tilespmem:s30+$0x70];
	s30 =	simm.s32 $0x8500;
	v19 =	vadd.f32 v19, v61;
	v22 =	vmul.f32 v63, v60  }
.LBB2_6:
0x256: {  	v23 =	vld [tilespmem:s30+$0xC0];
	v18 =	vadd.f32 v20, v18;
	v0 =	vadd.f32 v21, v0;
	v3 =	vmul.f32 v13, v3  }
0x257: {  	v13 =	vld [tilespmem:s30+$0xD0];
	v2 =	vadd.f32 v22, v2;
	v8 =	vmul.f32 v14, v8  }
0x258: {  	s1 =	sadd.s32 $0x200, s1;
	v14 =	vld [tilespmem:s30+$0x80];
	v1 =	vadd.f32 v3, v1;
	v0 =	vadd.f32 v0, v19;
	v3 =	vmul.f32 v15, v9  }
0x259: {  	s23 =	sadd.s32 $0x200, s23;
	v12 =	vadd.f32 v18, v12;
	v9 =	vld [tilespmem:s1+$0xC0];
	v4 =	vadd.f32 v8, v4;
	v8 =	vmul.f32 v16, v10  }
0x25a: {  	v10 =	vld [tilespmem:s23+$0xC0];
	v1 =	vadd.f32 v1, v2;
	v2 =	vadd.f32 v3, v5;
	v3 =	vmul.f32 v17, v11  }
0x25b: {  	v5 =	vld [tilespmem:s1+$0xD0];
	v6 =	vadd.f32 v8, v6;
	(xrf2) =	vadd.scan.msk.f32 $0xffff, v12  }
0x25c: {  	v8 =	vld [tilespmem:s23+$0xD0];
	v3 =	vadd.f32 v3, v7;
	v2 =	vadd.f32 v2, v4  }
0x25d: {  	v0 =	vadd.f32 v1, v0;
	v4 =	vld [tilespmem:s1+$0xE0]  }
0x25e: {  	v1 =	vld [tilespmem:s23+$0xE0];
	v3 =	vadd.f32 v3, v6  }
0x25f: {  	v6 =	vld [tilespmem:s1+$0xF0];
	(xrf2) =	vadd.scan.msk.f32 $0xffff, v0  }
0x260: {  	v0 =	vld [tilespmem:s23+$0xF0];
	v2 =	vadd.f32 v3, v2  }
0x261: {  	v3 =	vld [tilespmem:s1+$0x80]  }
0x262: {  	v7 =	vld [tilespmem:s23+$0x80];
	(xrf2) =	vadd.scan.msk.f32 $0xffff, v2  }
0x263: {  	v2 =	vld [tilespmem:s1+$0x90]  }
0x264: {  	v11 =	vld [tilespmem:s23+$0x90]  }
0x265: {  	v12 =	vld [tilespmem:s1+$0xA0];
	v15, _, _ =	vpop (xrf2)  }
0x266: {  	v16 =	vld [tilespmem:s23+$0xA0];
	[tilespmem:s24+$0xFFFFFFFD] =	vst.msk vm0, v15  }
0x267: {  	v15 =	vld [tilespmem:s1+$0xB0]  }
0x268: {  	v17 =	vld [tilespmem:s23+$0xB0]  }
0x269: {  	s25 =	sadd.s32 $0x4, s25;
	v18 =	vld [tilespmem:s30+$0x90];
	v19, _, _ =	vpop (xrf2)  }
0x26a: {  	p0 =	slt.u32 s25, $0x7C;
	v9 =	vmul.f32 v10, v9;
	v5 =	vmul.f32 v8, v5;
	v20 =	vld [tilespmem:s30+$0xA0];
	[tilespmem:s24+$0xFFFFFFFE] =	vst.msk vm0, v19  }
0x26b: {  	v1 =	vmul.f32 v1, v4;
	v0 =	vmul.f32 v0, v6;
	v8 =	vld [tilespmem:s30+$0xB0]  }
0x26c: {  	v3 =	vmul.f32 v7, v3;
	v2 =	vmul.f32 v11, v2;
	v4 =	vld [tilespmem:s30+$0xE0];
	v6, _, _ =	vpop (xrf2)  }
0x26d: {  	v7 =	vmul.f32 v16, v12;
	v10 =	vmul.f32 v17, v15;
	v11 =	vld [tilespmem:s30+$0xF0];
	[tilespmem:s24+$0xFFFFFFFF] =	vst.msk vm0, v6  }
0x26e: {  	v9 =	vmul.f32 v23, v9;
	v5 =	vmul.f32 v13, v5;
	v6 =	vld [tilespmem:s23+$0xFFFFFF00]  }
0x26f: {  	v3 =	vmul.f32 v14, v3;
	v2 =	vmul.f32 v18, v2;
	v12 =	vld [tilespmem:s1+$0xFFFFFF10]  }
0x270: {  	v7 =	vmul.f32 v20, v7;
	v13 =	vld [tilespmem:s23+$0xFFFFFF10];
	v8 =	vmul.f32 v8, v10  }
0x271: {  	v3 =	vadd.f32 $0.0e+00, v3;
	v2 =	vadd.f32 $0.0e+00, v2;
	v10 =	vld [tilespmem:s1+$0xFFFFFF20];
	v1 =	vmul.f32 v4, v1  }
0x272: {  	v7 =	vadd.f32 $0.0e+00, v7;
	v4 =	vld [tilespmem:s23+$0xFFFFFF20];
	v8 =	vadd.f32 $0.0e+00, v8;
	v0 =	vmul.f32 v11, v0  }
0x273: {  	v3 =	vadd.f32 v9, v3;
	v2 =	vadd.f32 v5, v2;
	v11 =	vld [tilespmem:s1+$0xFFFFFF30]  }
0x274: {  	v1 =	vadd.f32 v1, v7;
	v5 =	vld [tilespmem:s23+$0xFFFFFF30];
	v0 =	vadd.f32 v0, v8  }
0x275: {  	v7 =	vmul.f32 v13, v12;
	v8 =	vld [tilespmem:s1+$0xFFFFFF80]  }
0x276: {  	v2 =	vadd.f32 v2, v3;
	v9 =	vld [tilespmem:s23+$0xFFFFFF80];
	v0 =	vadd.f32 v0, v1  }
0x277: {  	v1 =	vmul.f32 v4, v10;
	v3 =	vld [tilespmem:s1+$0xFFFFFF90]  }
0x278: {  	v4 =	vld [tilespmem:s23+$0xFFFFFF90];
	v0 =	vadd.f32 v0, v2  }
0x279: {  	v2 =	vmul.f32 v5, v11;
	v5 =	vld [tilespmem:s1+$0xFFFFFFA0]  }
0x27a: {  	v10 =	vld [tilespmem:s23+$0xFFFFFFA0];
	(xrf2) =	vadd.scan.msk.f32 $0xffff, v0  }
0x27b: {  	v0 =	vmul.f32 v9, v8;
	v8 =	vld [tilespmem:s1+$0xFFFFFFB0]  }
0x27c: {  	v9 =	vld [tilespmem:s23+$0xFFFFFFB0]  }
0x27d: {  	v3 =	vmul.f32 v4, v3;
	v4 =	vld [tilespmem:s1+$0x0]  }
0x27e: {  	v11 =	vld [tilespmem:s23+$0x0]  }
0x27f: {  	v5 =	vmul.f32 v10, v5;
	v10 =	vld [tilespmem:s1+$0x10]  }
0x280: {  	v12 =	vld [tilespmem:s23+$0x10]  }
0x281: {  	v8 =	vmul.f32 v9, v8;
	v9 =	vld [tilespmem:s1+$0x20]  }
0x282: {  	v13 =	vld [tilespmem:s23+$0x20]  }
0x283: {  	v4 =	vmul.f32 v11, v4;
	v11 =	vld [tilespmem:s1+$0x30]  }
0x284: {  	s24 =	sadd.s32 $0x4, s24;
	v14 =	vld [tilespmem:s23+$0x30];
	v15, _, _ =	vpop (xrf2)  }
0x285: {  	v16 =	vld [tilespmem:s1+$0xFFFFFF00];
	v10 =	vmul.f32 v12, v10;
	[tilespmem:s24+$0x0] =	vst.msk vm0, v15  }
0x286: {  	v12 =	vld [tilespmem:s30+$0xFFFFFF00]  }
0x287: {  	v15 =	vld [tilespmem:s30+$0xFFFFFF10];
	v9 =	vmul.f32 v13, v9  }
0x288: {  	v13 =	vld [tilespmem:s30+$0xFFFFFF20]  }
0x289: {  	v17 =	vld [tilespmem:s30+$0xFFFFFF30];
	v11 =	vmul.f32 v14, v11  }
0x28a: {  	v6 =	vmul.f32 v6, v16;
	v14 =	vld [tilespmem:s1+$0xFFFFFF40]  }
0x28b: {  	v16 =	vld [tilespmem:s23+$0xFFFFFF40]  }
0x28c: {  	v6 =	vmul.f32 v12, v6;
	v7 =	vmul.f32 v15, v7;
	v12 =	vld [tilespmem:s1+$0xFFFFFF50]  }
0x28d: {  	v1 =	vmul.f32 v13, v1;
	v13 =	vld [tilespmem:s23+$0xFFFFFF50]  }
0x28e: {  	v15 =	vadd.f32 $0.0e+00, v6;
	v18 =	vadd.f32 $0.0e+00, v7;
	v2 =	vmul.f32 v17, v2;
	v6 =	vld [tilespmem:s1+$0xFFFFFF60]  }
0x28f: {  	v17 =	vadd.f32 $0.0e+00, v1;
	v1 =	vld [tilespmem:s23+$0xFFFFFF60]  }
0x290: {  	v19 =	vadd.f32 $0.0e+00, v2;
	v14 =	vmul.f32 v16, v14;
	v2 =	vld [tilespmem:s1+$0xFFFFFF70]  }
0x291: {  	v7 =	vld [tilespmem:s23+$0xFFFFFF70]  }
0x292: {  	v12 =	vmul.f32 v13, v12;
	v13 =	vld [tilespmem:s30+$0xFFFFFF80]  }
0x293: {  	v16 =	vld [tilespmem:s30+$0xFFFFFF90]  }
0x294: {  	v20 =	vmul.f32 v1, v6;
	v1 =	vld [tilespmem:s30+$0xFFFFFFA0]  }
0x295: {  	v6 =	vld [tilespmem:s30+$0xFFFFFFB0]  }
0x296: {  	v21 =	vmul.f32 v7, v2;
	v7 =	vld [tilespmem:s1+$0xFFFFFFC0]  }
0x297: {  	v0 =	vmul.f32 v13, v0;
	v13 =	vld [tilespmem:s23+$0xFFFFFFC0]  }
0x298: {  	v2 =	vmul.f32 v16, v3;
	v3 =	vld [tilespmem:s1+$0xFFFFFFD0]  }
0x299: {  	v22 =	vadd.f32 $0.0e+00, v0;
	v1 =	vmul.f32 v1, v5;
	v5 =	vld [tilespmem:s23+$0xFFFFFFD0]  }
0x29a: {  	v0 =	vadd.f32 $0.0e+00, v2;
	v6 =	vmul.f32 v6, v8;
	v8 =	vld [tilespmem:s1+$0xFFFFFFE0]  }
0x29b: {  	v2 =	vadd.f32 $0.0e+00, v1;
	v16 =	vld [tilespmem:s23+$0xFFFFFFE0]  }
0x29c: {  	v1 =	vadd.f32 $0.0e+00, v6;
	v23 =	vmul.f32 v13, v7;
	v6 =	vld [tilespmem:s1+$0xFFFFFFF0]  }
0x29d: {  	v7 =	vld [tilespmem:s23+$0xFFFFFFF0]  }
0x29e: {  	v24 =	vmul.f32 v5, v3;
	v5 =	vld [tilespmem:s30+$0x0]  }
0x29f: {  	v13 =	vld [tilespmem:s30+$0x10]  }
0x2a0: {  	v25 =	vmul.f32 v16, v8;
	v8 =	vld [tilespmem:s30+$0x20]  }
0x2a1: {  	v16 =	vld [tilespmem:s30+$0x30]  }
0x2a2: {  	v3 =	vmul.f32 v7, v6;
	v26 =	vld [tilespmem:s1+$0x40]  }
0x2a3: {  	v4 =	vmul.f32 v5, v4;
	v27 =	vld [tilespmem:s23+$0x40]  }
0x2a4: {  	v5 =	vmul.f32 v13, v10;
	v10 =	vld [tilespmem:s1+$0x50]  }
0x2a5: {  	v4 =	vadd.f32 $0.0e+00, v4;
	v6 =	vmul.f32 v8, v9;
	v9 =	vld [tilespmem:s23+$0x50]  }
0x2a6: {  	v5 =	vadd.f32 $0.0e+00, v5;
	v7 =	vmul.f32 v16, v11;
	v11 =	vld [tilespmem:s1+$0x60]  }
0x2a7: {  	v6 =	vadd.f32 $0.0e+00, v6;
	v13 =	vld [tilespmem:s23+$0x60]  }
0x2a8: {  	v7 =	vadd.f32 $0.0e+00, v7;
	v8 =	vmul.f32 v27, v26;
	v16 =	vld [tilespmem:s1+$0x70]  }
0x2a9: {  	v26 =	vld [tilespmem:s23+$0x70]  }
0x2aa: {  	v27 =	vld [tilespmem:s30+$0xFFFFFF40];
	v9 =	vmul.f32 v9, v10  }
0x2ab: {  	v28 =	vld [tilespmem:s30+$0xFFFFFF50]  }
0x2ac: {  	v29 =	vld [tilespmem:s30+$0xFFFFFF60];
	v10 =	vmul.f32 v13, v11  }
0x2ad: {  	v30 =	vld [tilespmem:s30+$0xFFFFFF70]  }
0x2ae: {  	v31 =	vld [tilespmem:s30+$0xFFFFFFC0];
	v11 =	vmul.f32 v26, v16  }
0x2af: {  	v13 =	vmul.f32 v27, v14;
	v16 =	vld [tilespmem:s30+$0xFFFFFFD0]  }
0x2b0: {  	v12 =	vmul.f32 v28, v12;
	v26 =	vld [tilespmem:s30+$0xFFFFFFE0]  }
.Ltmp2:
0x2b1: {  	v27 =	vadd.f32 v13, v15;
	v15 =	vmul.f32 v29, v20;
	v13 =	vld [tilespmem:s30+$0xFFFFFFF0];
	(pc) =	sbr.rel @p0 .LBB2_6-.Ltmp2, $4  }
0x2b2: {  	v12 =	vadd.f32 v12, v18;
	v20 =	vmul.f32 v30, v21;
	v14 =	vld [tilespmem:s30+$0x40]  }
0x2b3: {  	v18 =	vadd.f32 v15, v17;
	v17 =	vmul.f32 v31, v23;
	v15 =	vld [tilespmem:s30+$0x50]  }
0x2b4: {  	v20 =	vadd.f32 v20, v19;
	v12 =	vadd.f32 v12, v27;
	v21 =	vmul.f32 v16, v24;
	v16 =	vld [tilespmem:s30+$0x60]  }
0x2b5: {  	v19 =	vadd.f32 v17, v22;
	v22 =	vmul.f32 v26, v25;
	v17 =	vld [tilespmem:s30+$0x70];
	s30 =	sadd.s32 $0x200, s30  }
0x2b6: {  	_ = 	snop  }
0x2b7: {  	v18 =	vadd.f32 v20, v18;
	v3 =	vmul.f32 v13, v3  }
0x2b8: {  	v0 =	vadd.f32 v21, v0;
	v2 =	vadd.f32 v22, v2  }
0x2b9: {  	v8 =	vmul.f32 v14, v8;
	v1 =	vadd.f32 v3, v1;
	v52 =	vmul.f32 v15, v9  }
0x2ba: {  	v0 =	vadd.f32 v0, v19;
	v53 =	vmul.f32 v16, v10;
	v54 =	vmul.f32 v17, v11  }
0x2bb: {  	v4 =	vadd.f32 v8, v4;
	v3 =	vadd.f32 v52, v5  }
0x2bc: {  	v55 =	vadd.f32 v53, v6;
	v56 =	vadd.f32 v54, v7  }
0x2bd: {  	v57 =	vadd.f32 v18, v12;
	v1 =	vadd.f32 v1, v2  }
0x2be: {  	v58 =	vadd.f32 v3, v4;
	v59 =	vadd.f32 v56, v55  }
0x2bf: {  	v0 =	vadd.f32 v1, v0  }
0x2c0: {  	(xrf2) =	vadd.scan.msk.f32 $0xffff, v57;
	v60 =	vadd.f32 v59, v58  }
0x2c1: {  	(xrf2) =	vadd.scan.msk.f32 $0xffff, v0  }
0x2c2: {  	(xrf2) =	vadd.scan.msk.f32 $0xffff, v60;
	_ =	sdelay $0x7  }
0x2c3: {  	v61, _, _ =	vpop (xrf2)  }
0x2c4: {  	[tilespmem:s24+$0xFFFFFFFD] =	vst.msk vm0, v61;
	v62, _, _ =	vpop (xrf2)  }
0x2c5: {  	[tilespmem:s24+$0xFFFFFFFE] =	vst.msk vm0, v62;
	v63, _, _ =	vpop (xrf2)  }
0x2c6: {  	s0 =	sadd.s32 $0x1, s0;
	[tilespmem:s24+$0xFFFFFFFF] =	vst.msk vm0, v63  }
0x2c7: {  	[hbm4b:s15+s3] =	stream.linear.scatter [tilespmem:s28], [sflag:$0x4], $0x80, $0x38;
	[tilespmem:$0x18400] =	vst v63  }
0x2c8: {  	p0 =	sne.s32 s0, s16;
	_ =	swait.ge [sflag:s31], $0x80  }
.Ltmp3:
0x2c9: {  	[sflag:s31] =	ssyncset.done $0x0;
	(pc) =	sbr.rel @p0 .LBB2_1-.Ltmp3, $4  }
0x2ca: {  	[sflag:s31] =	ssyncadd.s32 $0xFFFFFF80  }
0x2cb: {  	_ =	swait.ge [sflag:s31], $0x80  }
0x2cc: {  	[sflag:s31] =	ssyncset.done $0x0  }
0x2cd: {  	[sflag:s31] =	ssyncadd.s32 $0xFFFFFF80  }
0x2ce: {  	_ =	sfence.sel $0x180000  }
0x2cf: {  	[bflag:$0x0] =	sbarrier.arrive $0xFFFF  }
0x2d0: {  	_ =	strace $0x90000047  }
0x2d1: {  	s0 =	stileid.u32;
	[bflag:$0x2] =	sbarrier.arrive $0xFFFF  }
0x2d2: {  	p0 =	sne.s32 s0, $0x0;
	s0 =	rddreg [dreg:$0x5]  }
0x2d3: {  	s0 =	sadd.s32 @!p0 $0x100000, s0  }
0x2d4: {  	[sflag:s0] =	ssyncadd.tile.s32 @!p0 $0x1;
	_ =	shalt  }
.Lfunc_end2:
_tile_overlayer_lowered:
.L_overlay_start_2:
0x2d5: {  	(tag) =	ssettag $0x2  }
0x2d6: {  	s0 =	rddreg [dreg:$0x0];
	s2 =	stileid.u32  }
0x2d7: {  	s1 =	rddreg [dreg:$0x1];
	p0 =	sne.s32 s2, $0x0  }
0x2d8: {  	s3 =	rddreg [dreg:$0x2];
	[bflag:$0x3] =	sbarrier.arrive $0xFFFF;
	s2 =	simm.s32 @!p0 $0x1C05  }
0x2d9: {  	[timem:s3], [sflag:s2] =	dma.local @!p0 [hbm:s0], s1  }
0x2da: {  	s0 =	simm.s32 @!p0 $0x5  }
0x2db: {  	_ =	swait.ge @!p0 [sflag:s0], s1  }
0x2dc: {  	s1 =	ssub.s32 @!p0 $0x0, s1;
	[sflag:s0] =	ssyncset.done @!p0 $0x0  }
0x2dd: {  	[sflag:s0] =	ssyncadd.s32 @!p0 s1  }
0x2de: {  	[bflag:$0x3] =	sbarrier.arrive $0xFFFF  }
0x2df: {  	_ =	shalt  }

</sc_bundles>
